<compile_context>
chip_gen: v7x
topology: tpu7x:2x2x1
jax: 0.10.2.dev20260603
libtpu: 0.0.44.dev20260713+nightly
codegen_flags: <defaults>
</compile_context>

<pallas_src>
import functools

import jax
import jax.numpy as jnp
from jax import lax
from jax.experimental import pallas as pl
from jax.experimental.pallas import tpu as pltpu
from jax.experimental.pallas import tpu_sc as plsc

B = 50000
N_NODES = 50000
D = 128
S = 10

NC = 2
NS = 16
NW = NC * NS
CB = 32
NCHUNK = 49
BPW = CB * NCHUNK
BP = NW * BPW
LANES = 16

_sc_mesh = plsc.VectorSubcoreMesh(core_axis_name="c", subcore_axis_name="s")


@functools.partial(
    pl.kernel,
    out_type=[
        jax.ShapeDtypeStruct((BP, D), jnp.float32),
        jax.ShapeDtypeStruct((BP, D), jnp.float32),
    ],
    mesh=_sc_mesh,
    scratch_types=[
        pltpu.VMEM((CB,), jnp.int32),
        pltpu.VMEM((CB * S // 2,), jnp.int32),
        pltpu.VMEM((CB * S // 2,), jnp.int32),
        pltpu.VMEM((CB, D), jnp.float32),
        pltpu.VMEM((CB * S // 2, D), jnp.float32),
        pltpu.VMEM((CB * S // 2, D), jnp.float32),
        pltpu.VMEM((CB, D), jnp.float32),
        pltpu.SemaphoreType.DMA,
        pltpu.SemaphoreType.DMA,
        pltpu.SemaphoreType.DMA,
    ],
)
def _gather_mean(nodes_hbm, nidx_hbm, feat_hbm, selfo_hbm, neigho_hbm,
                 idxs_v, idxna_v, idxnb_v, selfb_v, rowsa_v, rowsb_v, acc_v,
                 sem_s, sem_na, sem_nb):
    wid = lax.axis_index("s") * NC + lax.axis_index("c")
    base_w = wid * BPW

    H = S // 2

    def chunk_body(c, carry):
        base = base_w + c * CB
        pltpu.sync_copy(nodes_hbm.at[pl.ds(base, CB)], idxs_v)
        pltpu.sync_copy(nidx_hbm.at[pl.ds(base * H, CB * H)], idxna_v)
        pltpu.sync_copy(nidx_hbm.at[pl.ds(BP * H + base * H, CB * H)],
                        idxnb_v)
        cp_s = pltpu.async_copy(feat_hbm.at[idxs_v], selfb_v, sem_s)
        cp_a = pltpu.async_copy(feat_hbm.at[idxna_v], rowsa_v, sem_na)
        cp_b = pltpu.async_copy(feat_hbm.at[idxnb_v], rowsb_v, sem_nb)
        cp_s.wait()
        pltpu.sync_copy(selfb_v, selfo_hbm.at[pl.ds(base, CB)])

        def row_a(b, carry2):
            r0 = b * H
            for j in range(D // LANES):
                col = pl.ds(j * LANES, LANES)
                a = rowsa_v[r0, col]
                for s in range(1, H):
                    a = a + rowsa_v[r0 + s, col]
                acc_v[b, col] = a
            return carry2

        def row_b(b, carry2):
            r0 = b * H
            for j in range(D // LANES):
                col = pl.ds(j * LANES, LANES)
                a = rowsb_v[r0, col]
                for s in range(1, H):
                    a = a + rowsb_v[r0 + s, col]
                acc_v[b, col] = acc_v[b, col] + a
            return carry2

        cp_a.wait()
        lax.fori_loop(0, CB, row_a, 0)
        cp_b.wait()
        lax.fori_loop(0, CB, row_b, 0)
        pltpu.sync_copy(acc_v, neigho_hbm.at[pl.ds(base, CB)])
        return carry

    lax.fori_loop(0, NCHUNK, chunk_body, 0)


TB = 1024


def _proj_body(w1_ref, w2_ref, s_ref, n_ref, o_ref):
    a = lax.dot_general(s_ref[...], w1_ref[...], (((1,), (1,)), ((), ())),
                        preferred_element_type=jnp.float32)
    b = lax.dot_general(n_ref[...], w2_ref[...], (((1,), (1,)), ((), ())),
                        preferred_element_type=jnp.float32)
    o_ref[...] = jnp.maximum(a + b, 0.0)


_proj = pl.pallas_call(
    _proj_body,
    grid=(BP // TB,),
    in_specs=[
        pl.BlockSpec((D, D), lambda i: (0, 0)),
        pl.BlockSpec((D, D), lambda i: (0, 0)),
        pl.BlockSpec((TB, D), lambda i: (i, 0)),
        pl.BlockSpec((TB, D), lambda i: (i, 0)),
    ],
    out_specs=pl.BlockSpec((TB, D), lambda i: (i, 0)),
    out_shape=jax.ShapeDtypeStruct((BP, D), jnp.float32),
)


def kernel(nodes, neigh_idx, feat_data, W):
    nodes = nodes.astype(jnp.int32)
    neigh_idx = neigh_idx.astype(jnp.int32)
    pad = BP - B
    nodes_p = jnp.concatenate([nodes, jnp.zeros((pad,), jnp.int32)])
    nidx_pad = jnp.concatenate([neigh_idx, jnp.zeros((pad, S), jnp.int32)])
    nidx_p = jnp.concatenate([nidx_pad[:, :S // 2].reshape(-1),
                              nidx_pad[:, S // 2:].reshape(-1)])
    self_g, neigh_sum = _gather_mean(nodes_p, nidx_p, feat_data)
    w1 = W[:, :D]
    w2 = W[:, D:] * (1.0 / S)
    out_t = _proj(w1, w2, self_g, neigh_sum)
    return out_t[:B].T

# --- scband reference (transcript-rebuilt; emitter-appended) ---
"""Pipeline reference for scband-encoder-13804024889998 (READ-ONLY COPY).

The authoritative reference and input builder live on the scoring server;
editing this copy changes nothing except your own understanding.
"""

import jax, jax.numpy as jnp
import numpy as np

N_NODES = 50000
FEAT_DIM = 128
EMBED_DIM = 128
NUM_SAMPLE = 10
BATCH = 50000


def setup_inputs(seed: int = 0) -> dict:
    key = jax.random.key(seed)
    k1, k2, k3, k4 = jax.random.split(key, 4)
    nodes = jax.random.randint(k1, (BATCH,), 0, N_NODES, dtype=jnp.int64) if jax.config.read('jax_enable_x64') else jax.random.randint(k1, (BATCH,), 0, N_NODES, dtype=jnp.int32)
    neigh_idx = jax.random.randint(k2, (BATCH, NUM_SAMPLE), 0, N_NODES)
    feat_data = jax.random.normal(k3, (N_NODES, FEAT_DIM), dtype=jnp.float32)
    # xavier_uniform for weight [embed_dim, 2*feat_dim]
    fan_in = 2 * FEAT_DIM
    fan_out = EMBED_DIM
    limit = float(np.sqrt(6.0 / (fan_in + fan_out)))
    W = jax.random.uniform(k4, (EMBED_DIM, 2 * FEAT_DIM), dtype=jnp.float32, minval=-limit, maxval=limit)
    return {"nodes": nodes, "neigh_idx": neigh_idx, "feat_data": feat_data, "W": W}


def reference(nodes, neigh_idx, feat_data, W):
    # GraphSage 'convolutional' encoder forward:
    # 1. gather self features for the batch of nodes
    self_feats = jnp.take(feat_data, nodes, axis=0)                # [B, d]
    # 2. aggregator: gather sampled neighbor features and mean-pool
    neigh_feats = jnp.take(feat_data, neigh_idx, axis=0)           # [B, S, d]
    neigh_mean = jnp.mean(neigh_feats, axis=1)                     # [B, d]
    # 3. concat self + aggregated neighborhood -> [B, 2d]
    combined_neigh_feats = jnp.concatenate([self_feats, neigh_mean], axis=1)
    # 4. combined = relu(W @ feats^T) -> [embed_dim, B]
    combined = jax.nn.relu(W @ combined_neigh_feats.T)
    return combined

if __name__ == "__main__":
    import jax
    _d = setup_inputs()
    print(jax.jit(kernel)(*tuple(_d.values())))

</pallas_src>

<mosaic_0001>
#map = affine_map<(d0, d1) -> (0)>
#map1 = affine_map<(d0, d1) -> (0, 0)>
module attributes {stable_mosaic.version = 14 : i64} {
  func.func @_gather_mean(%arg0: i32, %arg1: i32, %arg2: memref<50176xi32, #tpu.memory_space<hbm>>, %arg3: memref<501760xi32, #tpu.memory_space<hbm>>, %arg4: memref<50000x128xf32, #tpu.memory_space<hbm>>, %arg5: memref<50176x128xf32, #tpu.memory_space<hbm>>, %arg6: memref<50176x128xf32, #tpu.memory_space<hbm>>, %arg7: memref<32xi32, #tpu.memory_space<vmem>>, %arg8: memref<160xi32, #tpu.memory_space<vmem>>, %arg9: memref<160xi32, #tpu.memory_space<vmem>>, %arg10: memref<32x128xf32, #tpu.memory_space<vmem>>, %arg11: memref<160x128xf32, #tpu.memory_space<vmem>>, %arg12: memref<160x128xf32, #tpu.memory_space<vmem>>, %arg13: memref<32x128xf32, #tpu.memory_space<vmem>>, %arg14: memref<!tpu.dma_semaphore, #tpu.memory_space<semaphore_mem>>, %arg15: memref<!tpu.dma_semaphore, #tpu.memory_space<semaphore_mem>>, %arg16: memref<!tpu.dma_semaphore, #tpu.memory_space<semaphore_mem>>) attributes {dimension_semantics = [#tpu.dimension_semantics<core_parallel>, #tpu.dimension_semantics<subcore_parallel>], iteration_bounds = array<i64: 2, 16>, scalar_prefetch = 0 : i64, scratch_operands = 10 : i64, tpu.core_type = #tpu.core_type<sc_vector_subcore>, window_params = [{transform_indices = #map}, {transform_indices = #map}, {transform_indices = #map1}, {transform_indices = #map1}, {transform_indices = #map1}]} {
    %mul3A = arith.constant 2 : i32
    %mul3A_0 = arith.muli %arg1, %mul3A : i32
    %add3A = arith.addi %mul3A_0, %arg0 : i32
    %mul3A_1 = arith.constant 1568 : i32
    %mul3A_2 = arith.muli %add3A, %mul3A_1 : i32
    %scan3A = arith.constant 0 : i32
    %scan3A_3 = arith.constant 0 : i32
    %scan3A_4 = arith.constant 49 : i32
    %scan3A_5 = arith.addi %scan3A_3, %scan3A_4 : i32
    %scan3A_6 = arith.constant 1 : i32
    scf.for %scan3A_8 = %scan3A_3 to %scan3A_5 step %scan3A_6  : i32 {
      %mul3A_9 = arith.constant 32 : i32
      %mul3A_10 = arith.muli %scan3A_8, %mul3A_9 : i32
      %add3A_11 = arith.addi %mul3A_2, %mul3A_10 : i32
      "tpu.region"() ({
        %run_scoped3A = tpu.sem_alloc : memref<!tpu.dma_semaphore, #tpu.memory_space<semaphore_mem>>
        %dma_start3A_46 = tpu.memref_slice %arg2[%add3A_11] : memref<50176xi32, #tpu.memory_space<hbm>> -> memref<32xi32, #tpu.memory_space<hbm>>
        %dma_start3A_47 = tpu.memref_slice %arg2[%add3A_11] : memref<50176xi32, #tpu.memory_space<hbm>> -> memref<32xi32, #tpu.memory_space<hbm>>
        tpu.enqueue_dma source(%dma_start3A_47 : memref<32xi32, #tpu.memory_space<hbm>>) target(%arg7 : memref<32xi32, #tpu.memory_space<vmem>>) target_semaphore(%run_scoped3A : memref<!tpu.dma_semaphore, #tpu.memory_space<semaphore_mem>>)
        %dma_wait3A_48 = tpu.memref_slice %arg2[%add3A_11] : memref<50176xi32, #tpu.memory_space<hbm>> -> memref<32xi32, #tpu.memory_space<hbm>>
        %dma_wait3A_49 = tpu.memref_slice %arg2[%add3A_11] : memref<50176xi32, #tpu.memory_space<hbm>> -> memref<32xi32, #tpu.memory_space<hbm>>
        tpu.wait_dma2 semaphore(%run_scoped3A : memref<!tpu.dma_semaphore, #tpu.memory_space<semaphore_mem>>) src(%dma_wait3A_49 : memref<32xi32, #tpu.memory_space<hbm>>) dst(%arg7 : memref<32xi32, #tpu.memory_space<vmem>>)
        tpu.yield
      }) : () -> ()
      %mul3A_12 = arith.constant 5 : i32
      %mul3A_13 = arith.muli %add3A_11, %mul3A_12 : i32
      "tpu.region"() ({
        %run_scoped3A = tpu.sem_alloc : memref<!tpu.dma_semaphore, #tpu.memory_space<semaphore_mem>>
        %dma_start3A_46 = tpu.memref_slice %arg3[%mul3A_13] : memref<501760xi32, #tpu.memory_space<hbm>> -> memref<160xi32, #tpu.memory_space<hbm>>
        %dma_start3A_47 = tpu.memref_slice %arg3[%mul3A_13] : memref<501760xi32, #tpu.memory_space<hbm>> -> memref<160xi32, #tpu.memory_space<hbm>>
        tpu.enqueue_dma source(%dma_start3A_47 : memref<160xi32, #tpu.memory_space<hbm>>) target(%arg8 : memref<160xi32, #tpu.memory_space<vmem>>) target_semaphore(%run_scoped3A : memref<!tpu.dma_semaphore, #tpu.memory_space<semaphore_mem>>)
        %dma_wait3A_48 = tpu.memref_slice %arg3[%mul3A_13] : memref<501760xi32, #tpu.memory_space<hbm>> -> memref<160xi32, #tpu.memory_space<hbm>>
        %dma_wait3A_49 = tpu.memref_slice %arg3[%mul3A_13] : memref<501760xi32, #tpu.memory_space<hbm>> -> memref<160xi32, #tpu.memory_space<hbm>>
        tpu.wait_dma2 semaphore(%run_scoped3A : memref<!tpu.dma_semaphore, #tpu.memory_space<semaphore_mem>>) src(%dma_wait3A_49 : memref<160xi32, #tpu.memory_space<hbm>>) dst(%arg8 : memref<160xi32, #tpu.memory_space<vmem>>)
        tpu.yield
      }) : () -> ()
      %mul3A_14 = arith.constant 5 : i32
      %mul3A_15 = arith.muli %add3A_11, %mul3A_14 : i32
      %add3A_16 = arith.constant 250880 : i32
      %add3A_17 = arith.addi %add3A_16, %mul3A_15 : i32
      "tpu.region"() ({
        %run_scoped3A = tpu.sem_alloc : memref<!tpu.dma_semaphore, #tpu.memory_space<semaphore_mem>>
        %dma_start3A_46 = tpu.memref_slice %arg3[%add3A_17] : memref<501760xi32, #tpu.memory_space<hbm>> -> memref<160xi32, #tpu.memory_space<hbm>>
        %dma_start3A_47 = tpu.memref_slice %arg3[%add3A_17] : memref<501760xi32, #tpu.memory_space<hbm>> -> memref<160xi32, #tpu.memory_space<hbm>>
        tpu.enqueue_dma source(%dma_start3A_47 : memref<160xi32, #tpu.memory_space<hbm>>) target(%arg9 : memref<160xi32, #tpu.memory_space<vmem>>) target_semaphore(%run_scoped3A : memref<!tpu.dma_semaphore, #tpu.memory_space<semaphore_mem>>)
        %dma_wait3A_48 = tpu.memref_slice %arg3[%add3A_17] : memref<501760xi32, #tpu.memory_space<hbm>> -> memref<160xi32, #tpu.memory_space<hbm>>
        %dma_wait3A_49 = tpu.memref_slice %arg3[%add3A_17] : memref<501760xi32, #tpu.memory_space<hbm>> -> memref<160xi32, #tpu.memory_space<hbm>>
        tpu.wait_dma2 semaphore(%run_scoped3A : memref<!tpu.dma_semaphore, #tpu.memory_space<semaphore_mem>>) src(%dma_wait3A_49 : memref<160xi32, #tpu.memory_space<hbm>>) dst(%arg9 : memref<160xi32, #tpu.memory_space<vmem>>)
        tpu.yield
      }) : () -> ()
      %dma_start3A = arith.constant 0 : i32
      %dma_start3A_18 = arith.constant 0 : i32
      %dma_start3A_19 = tpu.memref_slice %arg4[%dma_start3A, %dma_start3A_18] : memref<50000x128xf32, #tpu.memory_space<hbm>> -> memref<50000x128xf32, #tpu.memory_space<hbm>>
      tpu.enqueue_indirect_dma source(%dma_start3A_19 : memref<50000x128xf32, #tpu.memory_space<hbm>>) target(%arg10 : memref<32x128xf32, #tpu.memory_space<vmem>>) offsets(%arg7 : memref<32xi32, #tpu.memory_space<vmem>>) semaphore(%arg14 : memref<!tpu.dma_semaphore, #tpu.memory_space<semaphore_mem>>)
      %dma_start3A_20 = arith.constant 0 : i32
      %dma_start3A_21 = arith.constant 0 : i32
      %dma_start3A_22 = tpu.memref_slice %arg4[%dma_start3A_20, %dma_start3A_21] : memref<50000x128xf32, #tpu.memory_space<hbm>> -> memref<50000x128xf32, #tpu.memory_space<hbm>>
      tpu.enqueue_indirect_dma source(%dma_start3A_22 : memref<50000x128xf32, #tpu.memory_space<hbm>>) target(%arg11 : memref<160x128xf32, #tpu.memory_space<vmem>>) offsets(%arg8 : memref<160xi32, #tpu.memory_space<vmem>>) semaphore(%arg15 : memref<!tpu.dma_semaphore, #tpu.memory_space<semaphore_mem>>)
      %dma_start3A_23 = arith.constant 0 : i32
      %dma_start3A_24 = arith.constant 0 : i32
      %dma_start3A_25 = tpu.memref_slice %arg4[%dma_start3A_23, %dma_start3A_24] : memref<50000x128xf32, #tpu.memory_space<hbm>> -> memref<50000x128xf32, #tpu.memory_space<hbm>>
      tpu.enqueue_indirect_dma source(%dma_start3A_25 : memref<50000x128xf32, #tpu.memory_space<hbm>>) target(%arg12 : memref<160x128xf32, #tpu.memory_space<vmem>>) offsets(%arg9 : memref<160xi32, #tpu.memory_space<vmem>>) semaphore(%arg16 : memref<!tpu.dma_semaphore, #tpu.memory_space<semaphore_mem>>)
      %dma_wait3A = arith.constant 0 : i32
      %dma_wait3A_26 = arith.constant 0 : i32
      %dma_wait3A_27 = tpu.memref_slice %arg4[%dma_wait3A, %dma_wait3A_26] : memref<50000x128xf32, #tpu.memory_space<hbm>> -> memref<50000x128xf32, #tpu.memory_space<hbm>>
      tpu.wait_indirect_dma semaphore(%arg14 : memref<!tpu.dma_semaphore, #tpu.memory_space<semaphore_mem>>) src(%dma_wait3A_27 : memref<50000x128xf32, #tpu.memory_space<hbm>>) dst(%arg10 : memref<32x128xf32, #tpu.memory_space<vmem>>)
      "tpu.region"() ({
        %run_scoped3A = tpu.sem_alloc : memref<!tpu.dma_semaphore, #tpu.memory_space<semaphore_mem>>
        %dma_start3A_46 = arith.constant 0 : i32
        %dma_start3A_47 = tpu.memref_slice %arg5[%add3A_11, %dma_start3A_46] : memref<50176x128xf32, #tpu.memory_space<hbm>> -> memref<32x128xf32, #tpu.memory_space<hbm>>
        %dma_start3A_48 = arith.constant 0 : i32
        %dma_start3A_49 = tpu.memref_slice %arg5[%add3A_11, %dma_start3A_48] : memref<50176x128xf32, #tpu.memory_space<hbm>> -> memref<32x128xf32, #tpu.memory_space<hbm>>
        tpu.enqueue_dma source(%arg10 : memref<32x128xf32, #tpu.memory_space<vmem>>) target(%dma_start3A_49 : memref<32x128xf32, #tpu.memory_space<hbm>>) target_semaphore(%run_scoped3A : memref<!tpu.dma_semaphore, #tpu.memory_space<semaphore_mem>>)
        %dma_wait3A_50 = arith.constant 0 : i32
        %dma_wait3A_51 = tpu.memref_slice %arg5[%add3A_11, %dma_wait3A_50] : memref<50176x128xf32, #tpu.memory_space<hbm>> -> memref<32x128xf32, #tpu.memory_space<hbm>>
        %dma_wait3A_52 = arith.constant 0 : i32
        %dma_wait3A_53 = tpu.memref_slice %arg5[%add3A_11, %dma_wait3A_52] : memref<50176x128xf32, #tpu.memory_space<hbm>> -> memref<32x128xf32, #tpu.memory_space<hbm>>
        tpu.wait_dma2 semaphore(%run_scoped3A : memref<!tpu.dma_semaphore, #tpu.memory_space<semaphore_mem>>) src(%arg10 : memref<32x128xf32, #tpu.memory_space<vmem>>) dst(%dma_wait3A_53 : memref<32x128xf32, #tpu.memory_space<hbm>>)
        tpu.yield
      }) : () -> ()
      %dma_wait3A_28 = arith.constant 0 : i32
      %dma_wait3A_29 = arith.constant 0 : i32
      %dma_wait3A_30 = tpu.memref_slice %arg4[%dma_wait3A_28, %dma_wait3A_29] : memref<50000x128xf32, #tpu.memory_space<hbm>> -> memref<50000x128xf32, #tpu.memory_space<hbm>>
      tpu.wait_indirect_dma semaphore(%arg15 : memref<!tpu.dma_semaphore, #tpu.memory_space<semaphore_mem>>) src(%dma_wait3A_30 : memref<50000x128xf32, #tpu.memory_space<hbm>>) dst(%arg11 : memref<160x128xf32, #tpu.memory_space<vmem>>)
      %scan3A_31 = arith.constant 0 : i32
      %scan3A_32 = arith.constant 0 : i32
      %scan3A_33 = arith.constant 32 : i32
      %scan3A_34 = arith.addi %scan3A_32, %scan3A_33 : i32
      %scan3A_35 = arith.constant 1 : i32
      scf.for %scan3A_46 = %scan3A_32 to %scan3A_34 step %scan3A_35  : i32 {
        %mul3A_47 = arith.constant 5 : i32
        %mul3A_48 = arith.muli %scan3A_46, %mul3A_47 : i32
        %get3A = arith.index_cast %mul3A_48 : i32 to index
        %get3A_49 = arith.constant 0 : index
        %get3A_50 = tpu.vector_load %arg11[%get3A, %get3A_49] {strides = array<i32>} : memref<160x128xf32, #tpu.memory_space<vmem>>, vector<1x16xf32>,
        %get3A_51 = vector.shape_cast %get3A_50 : vector<1x16xf32> to vector<16xf32>
        %add3A_52 = arith.constant 1 : i32
        %add3A_53 = arith.addi %mul3A_48, %add3A_52 : i32
        %get3A_54 = arith.index_cast %add3A_53 : i32 to index
        %get3A_55 = arith.constant 0 : index
        %get3A_56 = tpu.vector_load %arg11[%get3A_54, %get3A_55] {strides = array<i32>} : memref<160x128xf32, #tpu.memory_space<vmem>>, vector<1x16xf32>,
        %get3A_57 = vector.shape_cast %get3A_56 : vector<1x16xf32> to vector<16xf32>
        %add3A_58 = arith.addf %get3A_51, %get3A_57 : vector<16xf32>
        %add3A_59 = arith.constant 2 : i32
        %add3A_60 = arith.addi %mul3A_48, %add3A_59 : i32
        %get3A_61 = arith.index_cast %add3A_60 : i32 to index
        %get3A_62 = arith.constant 0 : index
        %get3A_63 = tpu.vector_load %arg11[%get3A_61, %get3A_62] {strides = array<i32>} : memref<160x128xf32, #tpu.memory_space<vmem>>, vector<1x16xf32>,
        %get3A_64 = vector.shape_cast %get3A_63 : vector<1x16xf32> to vector<16xf32>
        %add3A_65 = arith.addf %add3A_58, %get3A_64 : vector<16xf32>
        %add3A_66 = arith.constant 3 : i32
        %add3A_67 = arith.addi %mul3A_48, %add3A_66 : i32
        %get3A_68 = arith.index_cast %add3A_67 : i32 to index
        %get3A_69 = arith.constant 0 : index
        %get3A_70 = tpu.vector_load %arg11[%get3A_68, %get3A_69] {strides = array<i32>} : memref<160x128xf32, #tpu.memory_space<vmem>>, vector<1x16xf32>,
        %get3A_71 = vector.shape_cast %get3A_70 : vector<1x16xf32> to vector<16xf32>
        %add3A_72 = arith.addf %add3A_65, %get3A_71 : vector<16xf32>
        %add3A_73 = arith.constant 4 : i32
        %add3A_74 = arith.addi %mul3A_48, %add3A_73 : i32
        %get3A_75 = arith.index_cast %add3A_74 : i32 to index
        %get3A_76 = arith.constant 0 : index
        %get3A_77 = tpu.vector_load %arg11[%get3A_75, %get3A_76] {strides = array<i32>} : memref<160x128xf32, #tpu.memory_space<vmem>>, vector<1x16xf32>,
        %get3A_78 = vector.shape_cast %get3A_77 : vector<1x16xf32> to vector<16xf32>
        %add3A_79 = arith.addf %add3A_72, %get3A_78 : vector<16xf32>
        %swap3A = arith.index_cast %scan3A_46 : i32 to index
        %swap3A_80 = arith.constant 0 : index
        %swap3A_81 = tpu.vector_load %arg13[%swap3A, %swap3A_80] {strides = array<i32>} : memref<32x128xf32, #tpu.memory_space<vmem>>, vector<1x16xf32>,
        %swap3A_82 = vector.shape_cast %swap3A_81 : vector<1x16xf32> to vector<16xf32>
        %swap3A_83 = vector.shape_cast %add3A_79 : vector<16xf32> to vector<1x16xf32>
        tpu.vector_store %arg13[%swap3A, %swap3A_80], %swap3A_83 {strides = array<i32>} : memref<32x128xf32, #tpu.memory_space<vmem>>, vector<1x16xf32>,
        %get3A_84 = arith.index_cast %mul3A_48 : i32 to index
        %get3A_85 = arith.constant 16 : index
        %get3A_86 = tpu.vector_load %arg11[%get3A_84, %get3A_85] {strides = array<i32>} : memref<160x128xf32, #tpu.memory_space<vmem>>, vector<1x16xf32>,
        %get3A_87 = vector.shape_cast %get3A_86 : vector<1x16xf32> to vector<16xf32>
        %add3A_88 = arith.constant 1 : i32
        %add3A_89 = arith.addi %mul3A_48, %add3A_88 : i32
        %get3A_90 = arith.index_cast %add3A_89 : i32 to index
        %get3A_91 = arith.constant 16 : index
        %get3A_92 = tpu.vector_load %arg11[%get3A_90, %get3A_91] {strides = array<i32>} : memref<160x128xf32, #tpu.memory_space<vmem>>, vector<1x16xf32>,
        %get3A_93 = vector.shape_cast %get3A_92 : vector<1x16xf32> to vector<16xf32>
        %add3A_94 = arith.addf %get3A_87, %get3A_93 : vector<16xf32>
        %add3A_95 = arith.constant 2 : i32
        %add3A_96 = arith.addi %mul3A_48, %add3A_95 : i32
        %get3A_97 = arith.index_cast %add3A_96 : i32 to index
        %get3A_98 = arith.constant 16 : index
        %get3A_99 = tpu.vector_load %arg11[%get3A_97, %get3A_98] {strides = array<i32>} : memref<160x128xf32, #tpu.memory_space<vmem>>, vector<1x16xf32>,
        %get3A_100 = vector.shape_cast %get3A_99 : vector<1x16xf32> to vector<16xf32>
        %add3A_101 = arith.addf %add3A_94, %get3A_100 : vector<16xf32>
        %add3A_102 = arith.constant 3 : i32
        %add3A_103 = arith.addi %mul3A_48, %add3A_102 : i32
        %get3A_104 = arith.index_cast %add3A_103 : i32 to index
        %get3A_105 = arith.constant 16 : index
        %get3A_106 = tpu.vector_load %arg11[%get3A_104, %get3A_105] {strides = array<i32>} : memref<160x128xf32, #tpu.memory_space<vmem>>, vector<1x16xf32>,
        %get3A_107 = vector.shape_cast %get3A_106 : vector<1x16xf32> to vector<16xf32>
        %add3A_108 = arith.addf %add3A_101, %get3A_107 : vector<16xf32>
        %add3A_109 = arith.constant 4 : i32
        %add3A_110 = arith.addi %mul3A_48, %add3A_109 : i32
        %get3A_111 = arith.index_cast %add3A_110 : i32 to index
        %get3A_112 = arith.constant 16 : index
        %get3A_113 = tpu.vector_load %arg11[%get3A_111, %get3A_112] {strides = array<i32>} : memref<160x128xf32, #tpu.memory_space<vmem>>, vector<1x16xf32>,
        %get3A_114 = vector.shape_cast %get3A_113 : vector<1x16xf32> to vector<16xf32>
        %add3A_115 = arith.addf %add3A_108, %get3A_114 : vector<16xf32>
        %swap3A_116 = arith.index_cast %scan3A_46 : i32 to index
        %swap3A_117 = arith.constant 16 : index
        %swap3A_118 = tpu.vector_load %arg13[%swap3A_116, %swap3A_117] {strides = array<i32>} : memref<32x128xf32, #tpu.memory_space<vmem>>, vector<1x16xf32>,
        %swap3A_119 = vector.shape_cast %swap3A_118 : vector<1x16xf32> to vector<16xf32>
        %swap3A_120 = vector.shape_cast %add3A_115 : vector<16xf32> to vector<1x16xf32>
        tpu.vector_store %arg13[%swap3A_116, %swap3A_117], %swap3A_120 {strides = array<i32>} : memref<32x128xf32, #tpu.memory_space<vmem>>, vector<1x16xf32>,
        %get3A_121 = arith.index_cast %mul3A_48 : i32 to index
        %get3A_122 = arith.constant 32 : index
        %get3A_123 = tpu.vector_load %arg11[%get3A_121, %get3A_122] {strides = array<i32>} : memref<160x128xf32, #tpu.memory_space<vmem>>, vector<1x16xf32>,
        %get3A_124 = vector.shape_cast %get3A_123 : vector<1x16xf32> to vector<16xf32>
        %add3A_125 = arith.constant 1 : i32
        %add3A_126 = arith.addi %mul3A_48, %add3A_125 : i32
        %get3A_127 = arith.index_cast %add3A_126 : i32 to index
        %get3A_128 = arith.constant 32 : index
        %get3A_129 = tpu.vector_load %arg11[%get3A_127, %get3A_128] {strides = array<i32>} : memref<160x128xf32, #tpu.memory_space<vmem>>, vector<1x16xf32>,
        %get3A_130 = vector.shape_cast %get3A_129 : vector<1x16xf32> to vector<16xf32>
        %add3A_131 = arith.addf %get3A_124, %get3A_130 : vector<16xf32>
        %add3A_132 = arith.constant 2 : i32
        %add3A_133 = arith.addi %mul3A_48, %add3A_132 : i32
        %get3A_134 = arith.index_cast %add3A_133 : i32 to index
        %get3A_135 = arith.constant 32 : index
        %get3A_136 = tpu.vector_load %arg11[%get3A_134, %get3A_135] {strides = array<i32>} : memref<160x128xf32, #tpu.memory_space<vmem>>, vector<1x16xf32>,
        %get3A_137 = vector.shape_cast %get3A_136 : vector<1x16xf32> to vector<16xf32>
        %add3A_138 = arith.addf %add3A_131, %get3A_137 : vector<16xf32>
        %add3A_139 = arith.constant 3 : i32
        %add3A_140 = arith.addi %mul3A_48, %add3A_139 : i32
        %get3A_141 = arith.index_cast %add3A_140 : i32 to index
        %get3A_142 = arith.constant 32 : index
        %get3A_143 = tpu.vector_load %arg11[%get3A_141, %get3A_142] {strides = array<i32>} : memref<160x128xf32, #tpu.memory_space<vmem>>, vector<1x16xf32>,
        %get3A_144 = vector.shape_cast %get3A_143 : vector<1x16xf32> to vector<16xf32>
        %add3A_145 = arith.addf %add3A_138, %get3A_144 : vector<16xf32>
        %add3A_146 = arith.constant 4 : i32
        %add3A_147 = arith.addi %mul3A_48, %add3A_146 : i32
        %get3A_148 = arith.index_cast %add3A_147 : i32 to index
        %get3A_149 = arith.constant 32 : index
        %get3A_150 = tpu.vector_load %arg11[%get3A_148, %get3A_149] {strides = array<i32>} : memref<160x128xf32, #tpu.memory_space<vmem>>, vector<1x16xf32>,
        %get3A_151 = vector.shape_cast %get3A_150 : vector<1x16xf32> to vector<16xf32>
        %add3A_152 = arith.addf %add3A_145, %get3A_151 : vector<16xf32>
        %swap3A_153 = arith.index_cast %scan3A_46 : i32 to index
        %swap3A_154 = arith.constant 32 : index
        %swap3A_155 = tpu.vector_load %arg13[%swap3A_153, %swap3A_154] {strides = array<i32>} : memref<32x128xf32, #tpu.memory_space<vmem>>, vector<1x16xf32>,
        %swap3A_156 = vector.shape_cast %swap3A_155 : vector<1x16xf32> to vector<16xf32>
        %swap3A_157 = vector.shape_cast %add3A_152 : vector<16xf32> to vector<1x16xf32>
        tpu.vector_store %arg13[%swap3A_153, %swap3A_154], %swap3A_157 {strides = array<i32>} : memref<32x128xf32, #tpu.memory_space<vmem>>, vector<1x16xf32>,
        %get3A_158 = arith.index_cast %mul3A_48 : i32 to index
        %get3A_159 = arith.constant 48 : index
        %get3A_160 = tpu.vector_load %arg11[%get3A_158, %get3A_159] {strides = array<i32>} : memref<160x128xf32, #tpu.memory_space<vmem>>, vector<1x16xf32>,
        %get3A_161 = vector.shape_cast %get3A_160 : vector<1x16xf32> to vector<16xf32>
        %add3A_162 = arith.constant 1 : i32
        %add3A_163 = arith.addi %mul3A_48, %add3A_162 : i32
        %get3A_164 = arith.index_cast %add3A_163 : i32 to index
        %get3A_165 = arith.constant 48 : index
        %get3A_166 = tpu.vector_load %arg11[%get3A_164, %get3A_165] {strides = array<i32>} : memref<160x128xf32, #tpu.memory_space<vmem>>, vector<1x16xf32>,
        %get3A_167 = vector.shape_cast %get3A_166 : vector<1x16xf32> to vector<16xf32>
        %add3A_168 = arith.addf %get3A_161, %get3A_167 : vector<16xf32>
        %add3A_169 = arith.constant 2 : i32
        %add3A_170 = arith.addi %mul3A_48, %add3A_169 : i32
        %get3A_171 = arith.index_cast %add3A_170 : i32 to index
        %get3A_172 = arith.constant 48 : index
        %get3A_173 = tpu.vector_load %arg11[%get3A_171, %get3A_172] {strides = array<i32>} : memref<160x128xf32, #tpu.memory_space<vmem>>, vector<1x16xf32>,
        %get3A_174 = vector.shape_cast %get3A_173 : vector<1x16xf32> to vector<16xf32>
        %add3A_175 = arith.addf %add3A_168, %get3A_174 : vector<16xf32>
        %add3A_176 = arith.constant 3 : i32
        %add3A_177 = arith.addi %mul3A_48, %add3A_176 : i32
        %get3A_178 = arith.index_cast %add3A_177 : i32 to index
        %get3A_179 = arith.constant 48 : index
        %get3A_180 = tpu.vector_load %arg11[%get3A_178, %get3A_179] {strides = array<i32>} : memref<160x128xf32, #tpu.memory_space<vmem>>, vector<1x16xf32>,
        %get3A_181 = vector.shape_cast %get3A_180 : vector<1x16xf32> to vector<16xf32>
        %add3A_182 = arith.addf %add3A_175, %get3A_181 : vector<16xf32>
        %add3A_183 = arith.constant 4 : i32
        %add3A_184 = arith.addi %mul3A_48, %add3A_183 : i32
        %get3A_185 = arith.index_cast %add3A_184 : i32 to index
        %get3A_186 = arith.constant 48 : index
        %get3A_187 = tpu.vector_load %arg11[%get3A_185, %get3A_186] {strides = array<i32>} : memref<160x128xf32, #tpu.memory_space<vmem>>, vector<1x16xf32>,
        %get3A_188 = vector.shape_cast %get3A_187 : vector<1x16xf32> to vector<16xf32>
        %add3A_189 = arith.addf %add3A_182, %get3A_188 : vector<16xf32>
        %swap3A_190 = arith.index_cast %scan3A_46 : i32 to index
        %swap3A_191 = arith.constant 48 : index
        %swap3A_192 = tpu.vector_load %arg13[%swap3A_190, %swap3A_191] {strides = array<i32>} : memref<32x128xf32, #tpu.memory_space<vmem>>, vector<1x16xf32>,
        %swap3A_193 = vector.shape_cast %swap3A_192 : vector<1x16xf32> to vector<16xf32>
        %swap3A_194 = vector.shape_cast %add3A_189 : vector<16xf32> to vector<1x16xf32>
        tpu.vector_store %arg13[%swap3A_190, %swap3A_191], %swap3A_194 {strides = array<i32>} : memref<32x128xf32, #tpu.memory_space<vmem>>, vector<1x16xf32>,
        %get3A_195 = arith.index_cast %mul3A_48 : i32 to index
        %get3A_196 = arith.constant 64 : index
        %get3A_197 = tpu.vector_load %arg11[%get3A_195, %get3A_196] {strides = array<i32>} : memref<160x128xf32, #tpu.memory_space<vmem>>, vector<1x16xf32>,
        %get3A_198 = vector.shape_cast %get3A_197 : vector<1x16xf32> to vector<16xf32>
        %add3A_199 = arith.constant 1 : i32
        %add3A_200 = arith.addi %mul3A_48, %add3A_199 : i32
        %get3A_201 = arith.index_cast %add3A_200 : i32 to index
        %get3A_202 = arith.constant 64 : index
        %get3A_203 = tpu.vector_load %arg11[%get3A_201, %get3A_202] {strides = array<i32>} : memref<160x128xf32, #tpu.memory_space<vmem>>, vector<1x16xf32>,
        %get3A_204 = vector.shape_cast %get3A_203 : vector<1x16xf32> to vector<16xf32>
        %add3A_205 = arith.addf %get3A_198, %get3A_204 : vector<16xf32>
        %add3A_206 = arith.constant 2 : i32
        %add3A_207 = arith.addi %mul3A_48, %add3A_206 : i32
        %get3A_208 = arith.index_cast %add3A_207 : i32 to index
        %get3A_209 = arith.constant 64 : index
        %get3A_210 = tpu.vector_load %arg11[%get3A_208, %get3A_209] {strides = array<i32>} : memref<160x128xf32, #tpu.memory_space<vmem>>, vector<1x16xf32>,
        %get3A_211 = vector.shape_cast %get3A_210 : vector<1x16xf32> to vector<16xf32>
        %add3A_212 = arith.addf %add3A_205, %get3A_211 : vector<16xf32>
        %add3A_213 = arith.constant 3 : i32
        %add3A_214 = arith.addi %mul3A_48, %add3A_213 : i32
        %get3A_215 = arith.index_cast %add3A_214 : i32 to index
        %get3A_216 = arith.constant 64 : index
        %get3A_217 = tpu.vector_load %arg11[%get3A_215, %get3A_216] {strides = array<i32>} : memref<160x128xf32, #tpu.memory_space<vmem>>, vector<1x16xf32>,
        %get3A_218 = vector.shape_cast %get3A_217 : vector<1x16xf32> to vector<16xf32>
        %add3A_219 = arith.addf %add3A_212, %get3A_218 : vector<16xf32>
        %add3A_220 = arith.constant 4 : i32
        %add3A_221 = arith.addi %mul3A_48, %add3A_220 : i32
        %get3A_222 = arith.index_cast %add3A_221 : i32 to index
        %get3A_223 = arith.constant 64 : index
        %get3A_224 = tpu.vector_load %arg11[%get3A_222, %get3A_223] {strides = array<i32>} : memref<160x128xf32, #tpu.memory_space<vmem>>, vector<1x16xf32>,
        %get3A_225 = vector.shape_cast %get3A_224 : vector<1x16xf32> to vector<16xf32>
        %add3A_226 = arith.addf %add3A_219, %get3A_225 : vector<16xf32>
        %swap3A_227 = arith.index_cast %scan3A_46 : i32 to index
        %swap3A_228 = arith.constant 64 : index
        %swap3A_229 = tpu.vector_load %arg13[%swap3A_227, %swap3A_228] {strides = array<i32>} : memref<32x128xf32, #tpu.memory_space<vmem>>, vector<1x16xf32>,
        %swap3A_230 = vector.shape_cast %swap3A_229 : vector<1x16xf32> to vector<16xf32>
        %swap3A_231 = vector.shape_cast %add3A_226 : vector<16xf32> to vector<1x16xf32>
        tpu.vector_store %arg13[%swap3A_227, %swap3A_228], %swap3A_231 {strides = array<i32>} : memref<32x128xf32, #tpu.memory_space<vmem>>, vector<1x16xf32>,
        %get3A_232 = arith.index_cast %mul3A_48 : i32 to index
        %get3A_233 = arith.constant 80 : index
        %get3A_234 = tpu.vector_load %arg11[%get3A_232, %get3A_233] {strides = array<i32>} : memref<160x128xf32, #tpu.memory_space<vmem>>, vector<1x16xf32>,
        %get3A_235 = vector.shape_cast %get3A_234 : vector<1x16xf32> to vector<16xf32>
        %add3A_236 = arith.constant 1 : i32
        %add3A_237 = arith.addi %mul3A_48, %add3A_236 : i32
        %get3A_238 = arith.index_cast %add3A_237 : i32 to index
        %get3A_239 = arith.constant 80 : index
        %get3A_240 = tpu.vector_load %arg11[%get3A_238, %get3A_239] {strides = array<i32>} : memref<160x128xf32, #tpu.memory_space<vmem>>, vector<1x16xf32>,
        %get3A_241 = vector.shape_cast %get3A_240 : vector<1x16xf32> to vector<16xf32>
        %add3A_242 = arith.addf %get3A_235, %get3A_241 : vector<16xf32>
        %add3A_243 = arith.constant 2 : i32
        %add3A_244 = arith.addi %mul3A_48, %add3A_243 : i32
        %get3A_245 = arith.index_cast %add3A_244 : i32 to index
        %get3A_246 = arith.constant 80 : index
        %get3A_247 = tpu.vector_load %arg11[%get3A_245, %get3A_246] {strides = array<i32>} : memref<160x128xf32, #tpu.memory_space<vmem>>, vector<1x16xf32>,
        %get3A_248 = vector.shape_cast %get3A_247 : vector<1x16xf32> to vector<16xf32>
        %add3A_249 = arith.addf %add3A_242, %get3A_248 : vector<16xf32>
        %add3A_250 = arith.constant 3 : i32
        %add3A_251 = arith.addi %mul3A_48, %add3A_250 : i32
        %get3A_252 = arith.index_cast %add3A_251 : i32 to index
        %get3A_253 = arith.constant 80 : index
        %get3A_254 = tpu.vector_load %arg11[%get3A_252, %get3A_253] {strides = array<i32>} : memref<160x128xf32, #tpu.memory_space<vmem>>, vector<1x16xf32>,
        %get3A_255 = vector.shape_cast %get3A_254 : vector<1x16xf32> to vector<16xf32>
        %add3A_256 = arith.addf %add3A_249, %get3A_255 : vector<16xf32>
        %add3A_257 = arith.constant 4 : i32
        %add3A_258 = arith.addi %mul3A_48, %add3A_257 : i32
        %get3A_259 = arith.index_cast %add3A_258 : i32 to index
        %get3A_260 = arith.constant 80 : index
        %get3A_261 = tpu.vector_load %arg11[%get3A_259, %get3A_260] {strides = array<i32>} : memref<160x128xf32, #tpu.memory_space<vmem>>, vector<1x16xf32>,
        %get3A_262 = vector.shape_cast %get3A_261 : vector<1x16xf32> to vector<16xf32>
        %add3A_263 = arith.addf %add3A_256, %get3A_262 : vector<16xf32>
        %swap3A_264 = arith.index_cast %scan3A_46 : i32 to index
        %swap3A_265 = arith.constant 80 : index
        %swap3A_266 = tpu.vector_load %arg13[%swap3A_264, %swap3A_265] {strides = array<i32>} : memref<32x128xf32, #tpu.memory_space<vmem>>, vector<1x16xf32>,
        %swap3A_267 = vector.shape_cast %swap3A_266 : vector<1x16xf32> to vector<16xf32>
        %swap3A_268 = vector.shape_cast %add3A_263 : vector<16xf32> to vector<1x16xf32>
        tpu.vector_store %arg13[%swap3A_264, %swap3A_265], %swap3A_268 {strides = array<i32>} : memref<32x128xf32, #tpu.memory_space<vmem>>, vector<1x16xf32>,
        %get3A_269 = arith.index_cast %mul3A_48 : i32 to index
        %get3A_270 = arith.constant 96 : index
        %get3A_271 = tpu.vector_load %arg11[%get3A_269, %get3A_270] {strides = array<i32>} : memref<160x128xf32, #tpu.memory_space<vmem>>, vector<1x16xf32>,
        %get3A_272 = vector.shape_cast %get3A_271 : vector<1x16xf32> to vector<16xf32>
        %add3A_273 = arith.constant 1 : i32
        %add3A_274 = arith.addi %mul3A_48, %add3A_273 : i32
        %get3A_275 = arith.index_cast %add3A_274 : i32 to index
        %get3A_276 = arith.constant 96 : index
        %get3A_277 = tpu.vector_load %arg11[%get3A_275, %get3A_276] {strides = array<i32>} : memref<160x128xf32, #tpu.memory_space<vmem>>, vector<1x16xf32>,
        %get3A_278 = vector.shape_cast %get3A_277 : vector<1x16xf32> to vector<16xf32>
        %add3A_279 = arith.addf %get3A_272, %get3A_278 : vector<16xf32>
        %add3A_280 = arith.constant 2 : i32
        %add3A_281 = arith.addi %mul3A_48, %add3A_280 : i32
        %get3A_282 = arith.index_cast %add3A_281 : i32 to index
        %get3A_283 = arith.constant 96 : index
        %get3A_284 = tpu.vector_load %arg11[%get3A_282, %get3A_283] {strides = array<i32>} : memref<160x128xf32, #tpu.memory_space<vmem>>, vector<1x16xf32>,
        %get3A_285 = vector.shape_cast %get3A_284 : vector<1x16xf32> to vector<16xf32>
        %add3A_286 = arith.addf %add3A_279, %get3A_285 : vector<16xf32>
        %add3A_287 = arith.constant 3 : i32
        %add3A_288 = arith.addi %mul3A_48, %add3A_287 : i32
        %get3A_289 = arith.index_cast %add3A_288 : i32 to index
        %get3A_290 = arith.constant 96 : index
        %get3A_291 = tpu.vector_load %arg11[%get3A_289, %get3A_290] {strides = array<i32>} : memref<160x128xf32, #tpu.memory_space<vmem>>, vector<1x16xf32>,
        %get3A_292 = vector.shape_cast %get3A_291 : vector<1x16xf32> to vector<16xf32>
        %add3A_293 = arith.addf %add3A_286, %get3A_292 : vector<16xf32>
        %add3A_294 = arith.constant 4 : i32
        %add3A_295 = arith.addi %mul3A_48, %add3A_294 : i32
        %get3A_296 = arith.index_cast %add3A_295 : i32 to index
        %get3A_297 = arith.constant 96 : index
        %get3A_298 = tpu.vector_load %arg11[%get3A_296, %get3A_297] {strides = array<i32>} : memref<160x128xf32, #tpu.memory_space<vmem>>, vector<1x16xf32>,
        %get3A_299 = vector.shape_cast %get3A_298 : vector<1x16xf32> to vector<16xf32>
        %add3A_300 = arith.addf %add3A_293, %get3A_299 : vector<16xf32>
        %swap3A_301 = arith.index_cast %scan3A_46 : i32 to index
        %swap3A_302 = arith.constant 96 : index
        %swap3A_303 = tpu.vector_load %arg13[%swap3A_301, %swap3A_302] {strides = array<i32>} : memref<32x128xf32, #tpu.memory_space<vmem>>, vector<1x16xf32>,
        %swap3A_304 = vector.shape_cast %swap3A_303 : vector<1x16xf32> to vector<16xf32>
        %swap3A_305 = vector.shape_cast %add3A_300 : vector<16xf32> to vector<1x16xf32>
        tpu.vector_store %arg13[%swap3A_301, %swap3A_302], %swap3A_305 {strides = array<i32>} : memref<32x128xf32, #tpu.memory_space<vmem>>, vector<1x16xf32>,
        %get3A_306 = arith.index_cast %mul3A_48 : i32 to index
        %get3A_307 = arith.constant 112 : index
        %get3A_308 = tpu.vector_load %arg11[%get3A_306, %get3A_307] {strides = array<i32>} : memref<160x128xf32, #tpu.memory_space<vmem>>, vector<1x16xf32>,
        %get3A_309 = vector.shape_cast %get3A_308 : vector<1x16xf32> to vector<16xf32>
        %add3A_310 = arith.constant 1 : i32
        %add3A_311 = arith.addi %mul3A_48, %add3A_310 : i32
        %get3A_312 = arith.index_cast %add3A_311 : i32 to index
        %get3A_313 = arith.constant 112 : index
        %get3A_314 = tpu.vector_load %arg11[%get3A_312, %get3A_313] {strides = array<i32>} : memref<160x128xf32, #tpu.memory_space<vmem>>, vector<1x16xf32>,
        %get3A_315 = vector.shape_cast %get3A_314 : vector<1x16xf32> to vector<16xf32>
        %add3A_316 = arith.addf %get3A_309, %get3A_315 : vector<16xf32>
        %add3A_317 = arith.constant 2 : i32
        %add3A_318 = arith.addi %mul3A_48, %add3A_317 : i32
        %get3A_319 = arith.index_cast %add3A_318 : i32 to index
        %get3A_320 = arith.constant 112 : index
        %get3A_321 = tpu.vector_load %arg11[%get3A_319, %get3A_320] {strides = array<i32>} : memref<160x128xf32, #tpu.memory_space<vmem>>, vector<1x16xf32>,
        %get3A_322 = vector.shape_cast %get3A_321 : vector<1x16xf32> to vector<16xf32>
        %add3A_323 = arith.addf %add3A_316, %get3A_322 : vector<16xf32>
        %add3A_324 = arith.constant 3 : i32
        %add3A_325 = arith.addi %mul3A_48, %add3A_324 : i32
        %get3A_326 = arith.index_cast %add3A_325 : i32 to index
        %get3A_327 = arith.constant 112 : index
        %get3A_328 = tpu.vector_load %arg11[%get3A_326, %get3A_327] {strides = array<i32>} : memref<160x128xf32, #tpu.memory_space<vmem>>, vector<1x16xf32>,
        %get3A_329 = vector.shape_cast %get3A_328 : vector<1x16xf32> to vector<16xf32>
        %add3A_330 = arith.addf %add3A_323, %get3A_329 : vector<16xf32>
        %add3A_331 = arith.constant 4 : i32
        %add3A_332 = arith.addi %mul3A_48, %add3A_331 : i32
        %get3A_333 = arith.index_cast %add3A_332 : i32 to index
        %get3A_334 = arith.constant 112 : index
        %get3A_335 = tpu.vector_load %arg11[%get3A_333, %get3A_334] {strides = array<i32>} : memref<160x128xf32, #tpu.memory_space<vmem>>, vector<1x16xf32>,
        %get3A_336 = vector.shape_cast %get3A_335 : vector<1x16xf32> to vector<16xf32>
        %add3A_337 = arith.addf %add3A_330, %get3A_336 : vector<16xf32>
        %swap3A_338 = arith.index_cast %scan3A_46 : i32 to index
        %swap3A_339 = arith.constant 112 : index
        %swap3A_340 = tpu.vector_load %arg13[%swap3A_338, %swap3A_339] {strides = array<i32>} : memref<32x128xf32, #tpu.memory_space<vmem>>, vector<1x16xf32>,
        %swap3A_341 = vector.shape_cast %swap3A_340 : vector<1x16xf32> to vector<16xf32>
        %swap3A_342 = vector.shape_cast %add3A_337 : vector<16xf32> to vector<1x16xf32>
        tpu.vector_store %arg13[%swap3A_338, %swap3A_339], %swap3A_342 {strides = array<i32>} : memref<32x128xf32, #tpu.memory_space<vmem>>, vector<1x16xf32>,
      }
      %scan3A_36 = arith.constant 32 : i32
      %dma_wait3A_37 = arith.constant 0 : i32
      %dma_wait3A_38 = arith.constant 0 : i32
      %dma_wait3A_39 = tpu.memref_slice %arg4[%dma_wait3A_37, %dma_wait3A_38] : memref<50000x128xf32, #tpu.memory_space<hbm>> -> memref<50000x128xf32, #tpu.memory_space<hbm>>
      tpu.wait_indirect_dma semaphore(%arg16 : memref<!tpu.dma_semaphore, #tpu.memory_space<semaphore_mem>>) src(%dma_wait3A_39 : memref<50000x128xf32, #tpu.memory_space<hbm>>) dst(%arg12 : memref<160x128xf32, #tpu.memory_space<vmem>>)
      %scan3A_40 = arith.constant 0 : i32
      %scan3A_41 = arith.constant 0 : i32
      %scan3A_42 = arith.constant 32 : i32
      %scan3A_43 = arith.addi %scan3A_41, %scan3A_42 : i32
      %scan3A_44 = arith.constant 1 : i32
      scf.for %scan3A_46 = %scan3A_41 to %scan3A_43 step %scan3A_44  : i32 {
        %mul3A_47 = arith.constant 5 : i32
        %mul3A_48 = arith.muli %scan3A_46, %mul3A_47 : i32
        %get3A = arith.index_cast %mul3A_48 : i32 to index
        %get3A_49 = arith.constant 0 : index
        %get3A_50 = tpu.vector_load %arg12[%get3A, %get3A_49] {strides = array<i32>} : memref<160x128xf32, #tpu.memory_space<vmem>>, vector<1x16xf32>,
        %get3A_51 = vector.shape_cast %get3A_50 : vector<1x16xf32> to vector<16xf32>
        %add3A_52 = arith.constant 1 : i32
        %add3A_53 = arith.addi %mul3A_48, %add3A_52 : i32
        %get3A_54 = arith.index_cast %add3A_53 : i32 to index
        %get3A_55 = arith.constant 0 : index
        %get3A_56 = tpu.vector_load %arg12[%get3A_54, %get3A_55] {strides = array<i32>} : memref<160x128xf32, #tpu.memory_space<vmem>>, vector<1x16xf32>,
        %get3A_57 = vector.shape_cast %get3A_56 : vector<1x16xf32> to vector<16xf32>
        %add3A_58 = arith.addf %get3A_51, %get3A_57 : vector<16xf32>
        %add3A_59 = arith.constant 2 : i32
        %add3A_60 = arith.addi %mul3A_48, %add3A_59 : i32
        %get3A_61 = arith.index_cast %add3A_60 : i32 to index
        %get3A_62 = arith.constant 0 : index
        %get3A_63 = tpu.vector_load %arg12[%get3A_61, %get3A_62] {strides = array<i32>} : memref<160x128xf32, #tpu.memory_space<vmem>>, vector<1x16xf32>,
        %get3A_64 = vector.shape_cast %get3A_63 : vector<1x16xf32> to vector<16xf32>
        %add3A_65 = arith.addf %add3A_58, %get3A_64 : vector<16xf32>
        %add3A_66 = arith.constant 3 : i32
        %add3A_67 = arith.addi %mul3A_48, %add3A_66 : i32
        %get3A_68 = arith.index_cast %add3A_67 : i32 to index
        %get3A_69 = arith.constant 0 : index
        %get3A_70 = tpu.vector_load %arg12[%get3A_68, %get3A_69] {strides = array<i32>} : memref<160x128xf32, #tpu.memory_space<vmem>>, vector<1x16xf32>,
        %get3A_71 = vector.shape_cast %get3A_70 : vector<1x16xf32> to vector<16xf32>
        %add3A_72 = arith.addf %add3A_65, %get3A_71 : vector<16xf32>
        %add3A_73 = arith.constant 4 : i32
        %add3A_74 = arith.addi %mul3A_48, %add3A_73 : i32
        %get3A_75 = arith.index_cast %add3A_74 : i32 to index
        %get3A_76 = arith.constant 0 : index
        %get3A_77 = tpu.vector_load %arg12[%get3A_75, %get3A_76] {strides = array<i32>} : memref<160x128xf32, #tpu.memory_space<vmem>>, vector<1x16xf32>,
        %get3A_78 = vector.shape_cast %get3A_77 : vector<1x16xf32> to vector<16xf32>
        %add3A_79 = arith.addf %add3A_72, %get3A_78 : vector<16xf32>
        %get3A_80 = arith.index_cast %scan3A_46 : i32 to index
        %get3A_81 = arith.constant 0 : index
        %get3A_82 = tpu.vector_load %arg13[%get3A_80, %get3A_81] {strides = array<i32>} : memref<32x128xf32, #tpu.memory_space<vmem>>, vector<1x16xf32>,
        %get3A_83 = vector.shape_cast %get3A_82 : vector<1x16xf32> to vector<16xf32>
        %add3A_84 = arith.addf %get3A_83, %add3A_79 : vector<16xf32>
        %swap3A = arith.index_cast %scan3A_46 : i32 to index
        %swap3A_85 = arith.constant 0 : index
        %swap3A_86 = tpu.vector_load %arg13[%swap3A, %swap3A_85] {strides = array<i32>} : memref<32x128xf32, #tpu.memory_space<vmem>>, vector<1x16xf32>,
        %swap3A_87 = vector.shape_cast %swap3A_86 : vector<1x16xf32> to vector<16xf32>
        %swap3A_88 = vector.shape_cast %add3A_84 : vector<16xf32> to vector<1x16xf32>
        tpu.vector_store %arg13[%swap3A, %swap3A_85], %swap3A_88 {strides = array<i32>} : memref<32x128xf32, #tpu.memory_space<vmem>>, vector<1x16xf32>,
        %get3A_89 = arith.index_cast %mul3A_48 : i32 to index
        %get3A_90 = arith.constant 16 : index
        %get3A_91 = tpu.vector_load %arg12[%get3A_89, %get3A_90] {strides = array<i32>} : memref<160x128xf32, #tpu.memory_space<vmem>>, vector<1x16xf32>,
        %get3A_92 = vector.shape_cast %get3A_91 : vector<1x16xf32> to vector<16xf32>
        %add3A_93 = arith.constant 1 : i32
        %add3A_94 = arith.addi %mul3A_48, %add3A_93 : i32
        %get3A_95 = arith.index_cast %add3A_94 : i32 to index
        %get3A_96 = arith.constant 16 : index
        %get3A_97 = tpu.vector_load %arg12[%get3A_95, %get3A_96] {strides = array<i32>} : memref<160x128xf32, #tpu.memory_space<vmem>>, vector<1x16xf32>,
        %get3A_98 = vector.shape_cast %get3A_97 : vector<1x16xf32> to vector<16xf32>
        %add3A_99 = arith.addf %get3A_92, %get3A_98 : vector<16xf32>
        %add3A_100 = arith.constant 2 : i32
        %add3A_101 = arith.addi %mul3A_48, %add3A_100 : i32
        %get3A_102 = arith.index_cast %add3A_101 : i32 to index
        %get3A_103 = arith.constant 16 : index
        %get3A_104 = tpu.vector_load %arg12[%get3A_102, %get3A_103] {strides = array<i32>} : memref<160x128xf32, #tpu.memory_space<vmem>>, vector<1x16xf32>,
        %get3A_105 = vector.shape_cast %get3A_104 : vector<1x16xf32> to vector<16xf32>
        %add3A_106 = arith.addf %add3A_99, %get3A_105 : vector<16xf32>
        %add3A_107 = arith.constant 3 : i32
        %add3A_108 = arith.addi %mul3A_48, %add3A_107 : i32
        %get3A_109 = arith.index_cast %add3A_108 : i32 to index
        %get3A_110 = arith.constant 16 : index
        %get3A_111 = tpu.vector_load %arg12[%get3A_109, %get3A_110] {strides = array<i32>} : memref<160x128xf32, #tpu.memory_space<vmem>>, vector<1x16xf32>,
        %get3A_112 = vector.shape_cast %get3A_111 : vector<1x16xf32> to vector<16xf32>
        %add3A_113 = arith.addf %add3A_106, %get3A_112 : vector<16xf32>
        %add3A_114 = arith.constant 4 : i32
        %add3A_115 = arith.addi %mul3A_48, %add3A_114 : i32
        %get3A_116 = arith.index_cast %add3A_115 : i32 to index
        %get3A_117 = arith.constant 16 : index
        %get3A_118 = tpu.vector_load %arg12[%get3A_116, %get3A_117] {strides = array<i32>} : memref<160x128xf32, #tpu.memory_space<vmem>>, vector<1x16xf32>,
        %get3A_119 = vector.shape_cast %get3A_118 : vector<1x16xf32> to vector<16xf32>
        %add3A_120 = arith.addf %add3A_113, %get3A_119 : vector<16xf32>
        %get3A_121 = arith.index_cast %scan3A_46 : i32 to index
        %get3A_122 = arith.constant 16 : index
        %get3A_123 = tpu.vector_load %arg13[%get3A_121, %get3A_122] {strides = array<i32>} : memref<32x128xf32, #tpu.memory_space<vmem>>, vector<1x16xf32>,
        %get3A_124 = vector.shape_cast %get3A_123 : vector<1x16xf32> to vector<16xf32>
        %add3A_125 = arith.addf %get3A_124, %add3A_120 : vector<16xf32>
        %swap3A_126 = arith.index_cast %scan3A_46 : i32 to index
        %swap3A_127 = arith.constant 16 : index
        %swap3A_128 = tpu.vector_load %arg13[%swap3A_126, %swap3A_127] {strides = array<i32>} : memref<32x128xf32, #tpu.memory_space<vmem>>, vector<1x16xf32>,
        %swap3A_129 = vector.shape_cast %swap3A_128 : vector<1x16xf32> to vector<16xf32>
        %swap3A_130 = vector.shape_cast %add3A_125 : vector<16xf32> to vector<1x16xf32>
        tpu.vector_store %arg13[%swap3A_126, %swap3A_127], %swap3A_130 {strides = array<i32>} : memref<32x128xf32, #tpu.memory_space<vmem>>, vector<1x16xf32>,
        %get3A_131 = arith.index_cast %mul3A_48 : i32 to index
        %get3A_132 = arith.constant 32 : index
        %get3A_133 = tpu.vector_load %arg12[%get3A_131, %get3A_132] {strides = array<i32>} : memref<160x128xf32, #tpu.memory_space<vmem>>, vector<1x16xf32>,
        %get3A_134 = vector.shape_cast %get3A_133 : vector<1x16xf32> to vector<16xf32>
        %add3A_135 = arith.constant 1 : i32
        %add3A_136 = arith.addi %mul3A_48, %add3A_135 : i32
        %get3A_137 = arith.index_cast %add3A_136 : i32 to index
        %get3A_138 = arith.constant 32 : index
        %get3A_139 = tpu.vector_load %arg12[%get3A_137, %get3A_138] {strides = array<i32>} : memref<160x128xf32, #tpu.memory_space<vmem>>, vector<1x16xf32>,
        %get3A_140 = vector.shape_cast %get3A_139 : vector<1x16xf32> to vector<16xf32>
        %add3A_141 = arith.addf %get3A_134, %get3A_140 : vector<16xf32>
        %add3A_142 = arith.constant 2 : i32
        %add3A_143 = arith.addi %mul3A_48, %add3A_142 : i32
        %get3A_144 = arith.index_cast %add3A_143 : i32 to index
        %get3A_145 = arith.constant 32 : index
        %get3A_146 = tpu.vector_load %arg12[%get3A_144, %get3A_145] {strides = array<i32>} : memref<160x128xf32, #tpu.memory_space<vmem>>, vector<1x16xf32>,
        %get3A_147 = vector.shape_cast %get3A_146 : vector<1x16xf32> to vector<16xf32>
        %add3A_148 = arith.addf %add3A_141, %get3A_147 : vector<16xf32>
        %add3A_149 = arith.constant 3 : i32
        %add3A_150 = arith.addi %mul3A_48, %add3A_149 : i32
        %get3A_151 = arith.index_cast %add3A_150 : i32 to index
        %get3A_152 = arith.constant 32 : index
        %get3A_153 = tpu.vector_load %arg12[%get3A_151, %get3A_152] {strides = array<i32>} : memref<160x128xf32, #tpu.memory_space<vmem>>, vector<1x16xf32>,
        %get3A_154 = vector.shape_cast %get3A_153 : vector<1x16xf32> to vector<16xf32>
        %add3A_155 = arith.addf %add3A_148, %get3A_154 : vector<16xf32>
        %add3A_156 = arith.constant 4 : i32
        %add3A_157 = arith.addi %mul3A_48, %add3A_156 : i32
        %get3A_158 = arith.index_cast %add3A_157 : i32 to index
        %get3A_159 = arith.constant 32 : index
        %get3A_160 = tpu.vector_load %arg12[%get3A_158, %get3A_159] {strides = array<i32>} : memref<160x128xf32, #tpu.memory_space<vmem>>, vector<1x16xf32>,
        %get3A_161 = vector.shape_cast %get3A_160 : vector<1x16xf32> to vector<16xf32>
        %add3A_162 = arith.addf %add3A_155, %get3A_161 : vector<16xf32>
        %get3A_163 = arith.index_cast %scan3A_46 : i32 to index
        %get3A_164 = arith.constant 32 : index
        %get3A_165 = tpu.vector_load %arg13[%get3A_163, %get3A_164] {strides = array<i32>} : memref<32x128xf32, #tpu.memory_space<vmem>>, vector<1x16xf32>,
        %get3A_166 = vector.shape_cast %get3A_165 : vector<1x16xf32> to vector<16xf32>
        %add3A_167 = arith.addf %get3A_166, %add3A_162 : vector<16xf32>
        %swap3A_168 = arith.index_cast %scan3A_46 : i32 to index
        %swap3A_169 = arith.constant 32 : index
        %swap3A_170 = tpu.vector_load %arg13[%swap3A_168, %swap3A_169] {strides = array<i32>} : memref<32x128xf32, #tpu.memory_space<vmem>>, vector<1x16xf32>,
        %swap3A_171 = vector.shape_cast %swap3A_170 : vector<1x16xf32> to vector<16xf32>
        %swap3A_172 = vector.shape_cast %add3A_167 : vector<16xf32> to vector<1x16xf32>
        tpu.vector_store %arg13[%swap3A_168, %swap3A_169], %swap3A_172 {strides = array<i32>} : memref<32x128xf32, #tpu.memory_space<vmem>>, vector<1x16xf32>,
        %get3A_173 = arith.index_cast %mul3A_48 : i32 to index
        %get3A_174 = arith.constant 48 : index
        %get3A_175 = tpu.vector_load %arg12[%get3A_173, %get3A_174] {strides = array<i32>} : memref<160x128xf32, #tpu.memory_space<vmem>>, vector<1x16xf32>,
        %get3A_176 = vector.shape_cast %get3A_175 : vector<1x16xf32> to vector<16xf32>
        %add3A_177 = arith.constant 1 : i32
        %add3A_178 = arith.addi %mul3A_48, %add3A_177 : i32
        %get3A_179 = arith.index_cast %add3A_178 : i32 to index
        %get3A_180 = arith.constant 48 : index
        %get3A_181 = tpu.vector_load %arg12[%get3A_179, %get3A_180] {strides = array<i32>} : memref<160x128xf32, #tpu.memory_space<vmem>>, vector<1x16xf32>,
        %get3A_182 = vector.shape_cast %get3A_181 : vector<1x16xf32> to vector<16xf32>
        %add3A_183 = arith.addf %get3A_176, %get3A_182 : vector<16xf32>
        %add3A_184 = arith.constant 2 : i32
        %add3A_185 = arith.addi %mul3A_48, %add3A_184 : i32
        %get3A_186 = arith.index_cast %add3A_185 : i32 to index
        %get3A_187 = arith.constant 48 : index
        %get3A_188 = tpu.vector_load %arg12[%get3A_186, %get3A_187] {strides = array<i32>} : memref<160x128xf32, #tpu.memory_space<vmem>>, vector<1x16xf32>,
        %get3A_189 = vector.shape_cast %get3A_188 : vector<1x16xf32> to vector<16xf32>
        %add3A_190 = arith.addf %add3A_183, %get3A_189 : vector<16xf32>
        %add3A_191 = arith.constant 3 : i32
        %add3A_192 = arith.addi %mul3A_48, %add3A_191 : i32
        %get3A_193 = arith.index_cast %add3A_192 : i32 to index
        %get3A_194 = arith.constant 48 : index
        %get3A_195 = tpu.vector_load %arg12[%get3A_193, %get3A_194] {strides = array<i32>} : memref<160x128xf32, #tpu.memory_space<vmem>>, vector<1x16xf32>,
        %get3A_196 = vector.shape_cast %get3A_195 : vector<1x16xf32> to vector<16xf32>
        %add3A_197 = arith.addf %add3A_190, %get3A_196 : vector<16xf32>
        %add3A_198 = arith.constant 4 : i32
        %add3A_199 = arith.addi %mul3A_48, %add3A_198 : i32
        %get3A_200 = arith.index_cast %add3A_199 : i32 to index
        %get3A_201 = arith.constant 48 : index
        %get3A_202 = tpu.vector_load %arg12[%get3A_200, %get3A_201] {strides = array<i32>} : memref<160x128xf32, #tpu.memory_space<vmem>>, vector<1x16xf32>,
        %get3A_203 = vector.shape_cast %get3A_202 : vector<1x16xf32> to vector<16xf32>
        %add3A_204 = arith.addf %add3A_197, %get3A_203 : vector<16xf32>
        %get3A_205 = arith.index_cast %scan3A_46 : i32 to index
        %get3A_206 = arith.constant 48 : index
        %get3A_207 = tpu.vector_load %arg13[%get3A_205, %get3A_206] {strides = array<i32>} : memref<32x128xf32, #tpu.memory_space<vmem>>, vector<1x16xf32>,
        %get3A_208 = vector.shape_cast %get3A_207 : vector<1x16xf32> to vector<16xf32>
        %add3A_209 = arith.addf %get3A_208, %add3A_204 : vector<16xf32>
        %swap3A_210 = arith.index_cast %scan3A_46 : i32 to index
        %swap3A_211 = arith.constant 48 : index
        %swap3A_212 = tpu.vector_load %arg13[%swap3A_210, %swap3A_211] {strides = array<i32>} : memref<32x128xf32, #tpu.memory_space<vmem>>, vector<1x16xf32>,
        %swap3A_213 = vector.shape_cast %swap3A_212 : vector<1x16xf32> to vector<16xf32>
        %swap3A_214 = vector.shape_cast %add3A_209 : vector<16xf32> to vector<1x16xf32>
        tpu.vector_store %arg13[%swap3A_210, %swap3A_211], %swap3A_214 {strides = array<i32>} : memref<32x128xf32, #tpu.memory_space<vmem>>, vector<1x16xf32>,
        %get3A_215 = arith.index_cast %mul3A_48 : i32 to index
        %get3A_216 = arith.constant 64 : index
        %get3A_217 = tpu.vector_load %arg12[%get3A_215, %get3A_216] {strides = array<i32>} : memref<160x128xf32, #tpu.memory_space<vmem>>, vector<1x16xf32>,
        %get3A_218 = vector.shape_cast %get3A_217 : vector<1x16xf32> to vector<16xf32>
        %add3A_219 = arith.constant 1 : i32
        %add3A_220 = arith.addi %mul3A_48, %add3A_219 : i32
        %get3A_221 = arith.index_cast %add3A_220 : i32 to index
        %get3A_222 = arith.constant 64 : index
        %get3A_223 = tpu.vector_load %arg12[%get3A_221, %get3A_222] {strides = array<i32>} : memref<160x128xf32, #tpu.memory_space<vmem>>, vector<1x16xf32>,
        %get3A_224 = vector.shape_cast %get3A_223 : vector<1x16xf32> to vector<16xf32>
        %add3A_225 = arith.addf %get3A_218, %get3A_224 : vector<16xf32>
        %add3A_226 = arith.constant 2 : i32
        %add3A_227 = arith.addi %mul3A_48, %add3A_226 : i32
        %get3A_228 = arith.index_cast %add3A_227 : i32 to index
        %get3A_229 = arith.constant 64 : index
        %get3A_230 = tpu.vector_load %arg12[%get3A_228, %get3A_229] {strides = array<i32>} : memref<160x128xf32, #tpu.memory_space<vmem>>, vector<1x16xf32>,
        %get3A_231 = vector.shape_cast %get3A_230 : vector<1x16xf32> to vector<16xf32>
        %add3A_232 = arith.addf %add3A_225, %get3A_231 : vector<16xf32>
        %add3A_233 = arith.constant 3 : i32
        %add3A_234 = arith.addi %mul3A_48, %add3A_233 : i32
        %get3A_235 = arith.index_cast %add3A_234 : i32 to index
        %get3A_236 = arith.constant 64 : index
        %get3A_237 = tpu.vector_load %arg12[%get3A_235, %get3A_236] {strides = array<i32>} : memref<160x128xf32, #tpu.memory_space<vmem>>, vector<1x16xf32>,
        %get3A_238 = vector.shape_cast %get3A_237 : vector<1x16xf32> to vector<16xf32>
        %add3A_239 = arith.addf %add3A_232, %get3A_238 : vector<16xf32>
        %add3A_240 = arith.constant 4 : i32
        %add3A_241 = arith.addi %mul3A_48, %add3A_240 : i32
        %get3A_242 = arith.index_cast %add3A_241 : i32 to index
        %get3A_243 = arith.constant 64 : index
        %get3A_244 = tpu.vector_load %arg12[%get3A_242, %get3A_243] {strides = array<i32>} : memref<160x128xf32, #tpu.memory_space<vmem>>, vector<1x16xf32>,
        %get3A_245 = vector.shape_cast %get3A_244 : vector<1x16xf32> to vector<16xf32>
        %add3A_246 = arith.addf %add3A_239, %get3A_245 : vector<16xf32>
        %get3A_247 = arith.index_cast %scan3A_46 : i32 to index
        %get3A_248 = arith.constant 64 : index
        %get3A_249 = tpu.vector_load %arg13[%get3A_247, %get3A_248] {strides = array<i32>} : memref<32x128xf32, #tpu.memory_space<vmem>>, vector<1x16xf32>,
        %get3A_250 = vector.shape_cast %get3A_249 : vector<1x16xf32> to vector<16xf32>
        %add3A_251 = arith.addf %get3A_250, %add3A_246 : vector<16xf32>
        %swap3A_252 = arith.index_cast %scan3A_46 : i32 to index
        %swap3A_253 = arith.constant 64 : index
        %swap3A_254 = tpu.vector_load %arg13[%swap3A_252, %swap3A_253] {strides = array<i32>} : memref<32x128xf32, #tpu.memory_space<vmem>>, vector<1x16xf32>,
        %swap3A_255 = vector.shape_cast %swap3A_254 : vector<1x16xf32> to vector<16xf32>
        %swap3A_256 = vector.shape_cast %add3A_251 : vector<16xf32> to vector<1x16xf32>
        tpu.vector_store %arg13[%swap3A_252, %swap3A_253], %swap3A_256 {strides = array<i32>} : memref<32x128xf32, #tpu.memory_space<vmem>>, vector<1x16xf32>,
        %get3A_257 = arith.index_cast %mul3A_48 : i32 to index
        %get3A_258 = arith.constant 80 : index
        %get3A_259 = tpu.vector_load %arg12[%get3A_257, %get3A_258] {strides = array<i32>} : memref<160x128xf32, #tpu.memory_space<vmem>>, vector<1x16xf32>,
        %get3A_260 = vector.shape_cast %get3A_259 : vector<1x16xf32> to vector<16xf32>
        %add3A_261 = arith.constant 1 : i32
        %add3A_262 = arith.addi %mul3A_48, %add3A_261 : i32
        %get3A_263 = arith.index_cast %add3A_262 : i32 to index
        %get3A_264 = arith.constant 80 : index
        %get3A_265 = tpu.vector_load %arg12[%get3A_263, %get3A_264] {strides = array<i32>} : memref<160x128xf32, #tpu.memory_space<vmem>>, vector<1x16xf32>,
        %get3A_266 = vector.shape_cast %get3A_265 : vector<1x16xf32> to vector<16xf32>
        %add3A_267 = arith.addf %get3A_260, %get3A_266 : vector<16xf32>
        %add3A_268 = arith.constant 2 : i32
        %add3A_269 = arith.addi %mul3A_48, %add3A_268 : i32
        %get3A_270 = arith.index_cast %add3A_269 : i32 to index
        %get3A_271 = arith.constant 80 : index
        %get3A_272 = tpu.vector_load %arg12[%get3A_270, %get3A_271] {strides = array<i32>} : memref<160x128xf32, #tpu.memory_space<vmem>>, vector<1x16xf32>,
        %get3A_273 = vector.shape_cast %get3A_272 : vector<1x16xf32> to vector<16xf32>
        %add3A_274 = arith.addf %add3A_267, %get3A_273 : vector<16xf32>
        %add3A_275 = arith.constant 3 : i32
        %add3A_276 = arith.addi %mul3A_48, %add3A_275 : i32
        %get3A_277 = arith.index_cast %add3A_276 : i32 to index
        %get3A_278 = arith.constant 80 : index
        %get3A_279 = tpu.vector_load %arg12[%get3A_277, %get3A_278] {strides = array<i32>} : memref<160x128xf32, #tpu.memory_space<vmem>>, vector<1x16xf32>,
        %get3A_280 = vector.shape_cast %get3A_279 : vector<1x16xf32> to vector<16xf32>
        %add3A_281 = arith.addf %add3A_274, %get3A_280 : vector<16xf32>
        %add3A_282 = arith.constant 4 : i32
        %add3A_283 = arith.addi %mul3A_48, %add3A_282 : i32
        %get3A_284 = arith.index_cast %add3A_283 : i32 to index
        %get3A_285 = arith.constant 80 : index
        %get3A_286 = tpu.vector_load %arg12[%get3A_284, %get3A_285] {strides = array<i32>} : memref<160x128xf32, #tpu.memory_space<vmem>>, vector<1x16xf32>,
        %get3A_287 = vector.shape_cast %get3A_286 : vector<1x16xf32> to vector<16xf32>
        %add3A_288 = arith.addf %add3A_281, %get3A_287 : vector<16xf32>
        %get3A_289 = arith.index_cast %scan3A_46 : i32 to index
        %get3A_290 = arith.constant 80 : index
        %get3A_291 = tpu.vector_load %arg13[%get3A_289, %get3A_290] {strides = array<i32>} : memref<32x128xf32, #tpu.memory_space<vmem>>, vector<1x16xf32>,
        %get3A_292 = vector.shape_cast %get3A_291 : vector<1x16xf32> to vector<16xf32>
        %add3A_293 = arith.addf %get3A_292, %add3A_288 : vector<16xf32>
        %swap3A_294 = arith.index_cast %scan3A_46 : i32 to index
        %swap3A_295 = arith.constant 80 : index
        %swap3A_296 = tpu.vector_load %arg13[%swap3A_294, %swap3A_295] {strides = array<i32>} : memref<32x128xf32, #tpu.memory_space<vmem>>, vector<1x16xf32>,
        %swap3A_297 = vector.shape_cast %swap3A_296 : vector<1x16xf32> to vector<16xf32>
        %swap3A_298 = vector.shape_cast %add3A_293 : vector<16xf32> to vector<1x16xf32>
        tpu.vector_store %arg13[%swap3A_294, %swap3A_295], %swap3A_298 {strides = array<i32>} : memref<32x128xf32, #tpu.memory_space<vmem>>, vector<1x16xf32>,
        %get3A_299 = arith.index_cast %mul3A_48 : i32 to index
        %get3A_300 = arith.constant 96 : index
        %get3A_301 = tpu.vector_load %arg12[%get3A_299, %get3A_300] {strides = array<i32>} : memref<160x128xf32, #tpu.memory_space<vmem>>, vector<1x16xf32>,
        %get3A_302 = vector.shape_cast %get3A_301 : vector<1x16xf32> to vector<16xf32>
        %add3A_303 = arith.constant 1 : i32
        %add3A_304 = arith.addi %mul3A_48, %add3A_303 : i32
        %get3A_305 = arith.index_cast %add3A_304 : i32 to index
        %get3A_306 = arith.constant 96 : index
        %get3A_307 = tpu.vector_load %arg12[%get3A_305, %get3A_306] {strides = array<i32>} : memref<160x128xf32, #tpu.memory_space<vmem>>, vector<1x16xf32>,
        %get3A_308 = vector.shape_cast %get3A_307 : vector<1x16xf32> to vector<16xf32>
        %add3A_309 = arith.addf %get3A_302, %get3A_308 : vector<16xf32>
        %add3A_310 = arith.constant 2 : i32
        %add3A_311 = arith.addi %mul3A_48, %add3A_310 : i32
        %get3A_312 = arith.index_cast %add3A_311 : i32 to index
        %get3A_313 = arith.constant 96 : index
        %get3A_314 = tpu.vector_load %arg12[%get3A_312, %get3A_313] {strides = array<i32>} : memref<160x128xf32, #tpu.memory_space<vmem>>, vector<1x16xf32>,
        %get3A_315 = vector.shape_cast %get3A_314 : vector<1x16xf32> to vector<16xf32>
        %add3A_316 = arith.addf %add3A_309, %get3A_315 : vector<16xf32>
        %add3A_317 = arith.constant 3 : i32
        %add3A_318 = arith.addi %mul3A_48, %add3A_317 : i32
        %get3A_319 = arith.index_cast %add3A_318 : i32 to index
        %get3A_320 = arith.constant 96 : index
        %get3A_321 = tpu.vector_load %arg12[%get3A_319, %get3A_320] {strides = array<i32>} : memref<160x128xf32, #tpu.memory_space<vmem>>, vector<1x16xf32>,
        %get3A_322 = vector.shape_cast %get3A_321 : vector<1x16xf32> to vector<16xf32>
        %add3A_323 = arith.addf %add3A_316, %get3A_322 : vector<16xf32>
        %add3A_324 = arith.constant 4 : i32
        %add3A_325 = arith.addi %mul3A_48, %add3A_324 : i32
        %get3A_326 = arith.index_cast %add3A_325 : i32 to index
        %get3A_327 = arith.constant 96 : index
        %get3A_328 = tpu.vector_load %arg12[%get3A_326, %get3A_327] {strides = array<i32>} : memref<160x128xf32, #tpu.memory_space<vmem>>, vector<1x16xf32>,
        %get3A_329 = vector.shape_cast %get3A_328 : vector<1x16xf32> to vector<16xf32>
        %add3A_330 = arith.addf %add3A_323, %get3A_329 : vector<16xf32>
        %get3A_331 = arith.index_cast %scan3A_46 : i32 to index
        %get3A_332 = arith.constant 96 : index
        %get3A_333 = tpu.vector_load %arg13[%get3A_331, %get3A_332] {strides = array<i32>} : memref<32x128xf32, #tpu.memory_space<vmem>>, vector<1x16xf32>,
        %get3A_334 = vector.shape_cast %get3A_333 : vector<1x16xf32> to vector<16xf32>
        %add3A_335 = arith.addf %get3A_334, %add3A_330 : vector<16xf32>
        %swap3A_336 = arith.index_cast %scan3A_46 : i32 to index
        %swap3A_337 = arith.constant 96 : index
        %swap3A_338 = tpu.vector_load %arg13[%swap3A_336, %swap3A_337] {strides = array<i32>} : memref<32x128xf32, #tpu.memory_space<vmem>>, vector<1x16xf32>,
        %swap3A_339 = vector.shape_cast %swap3A_338 : vector<1x16xf32> to vector<16xf32>
        %swap3A_340 = vector.shape_cast %add3A_335 : vector<16xf32> to vector<1x16xf32>
        tpu.vector_store %arg13[%swap3A_336, %swap3A_337], %swap3A_340 {strides = array<i32>} : memref<32x128xf32, #tpu.memory_space<vmem>>, vector<1x16xf32>,
        %get3A_341 = arith.index_cast %mul3A_48 : i32 to index
        %get3A_342 = arith.constant 112 : index
        %get3A_343 = tpu.vector_load %arg12[%get3A_341, %get3A_342] {strides = array<i32>} : memref<160x128xf32, #tpu.memory_space<vmem>>, vector<1x16xf32>,
        %get3A_344 = vector.shape_cast %get3A_343 : vector<1x16xf32> to vector<16xf32>
        %add3A_345 = arith.constant 1 : i32
        %add3A_346 = arith.addi %mul3A_48, %add3A_345 : i32
        %get3A_347 = arith.index_cast %add3A_346 : i32 to index
        %get3A_348 = arith.constant 112 : index
        %get3A_349 = tpu.vector_load %arg12[%get3A_347, %get3A_348] {strides = array<i32>} : memref<160x128xf32, #tpu.memory_space<vmem>>, vector<1x16xf32>,
        %get3A_350 = vector.shape_cast %get3A_349 : vector<1x16xf32> to vector<16xf32>
        %add3A_351 = arith.addf %get3A_344, %get3A_350 : vector<16xf32>
        %add3A_352 = arith.constant 2 : i32
        %add3A_353 = arith.addi %mul3A_48, %add3A_352 : i32
        %get3A_354 = arith.index_cast %add3A_353 : i32 to index
        %get3A_355 = arith.constant 112 : index
        %get3A_356 = tpu.vector_load %arg12[%get3A_354, %get3A_355] {strides = array<i32>} : memref<160x128xf32, #tpu.memory_space<vmem>>, vector<1x16xf32>,
        %get3A_357 = vector.shape_cast %get3A_356 : vector<1x16xf32> to vector<16xf32>
        %add3A_358 = arith.addf %add3A_351, %get3A_357 : vector<16xf32>
        %add3A_359 = arith.constant 3 : i32
        %add3A_360 = arith.addi %mul3A_48, %add3A_359 : i32
        %get3A_361 = arith.index_cast %add3A_360 : i32 to index
        %get3A_362 = arith.constant 112 : index
        %get3A_363 = tpu.vector_load %arg12[%get3A_361, %get3A_362] {strides = array<i32>} : memref<160x128xf32, #tpu.memory_space<vmem>>, vector<1x16xf32>,
        %get3A_364 = vector.shape_cast %get3A_363 : vector<1x16xf32> to vector<16xf32>
        %add3A_365 = arith.addf %add3A_358, %get3A_364 : vector<16xf32>
        %add3A_366 = arith.constant 4 : i32
        %add3A_367 = arith.addi %mul3A_48, %add3A_366 : i32
        %get3A_368 = arith.index_cast %add3A_367 : i32 to index
        %get3A_369 = arith.constant 112 : index
        %get3A_370 = tpu.vector_load %arg12[%get3A_368, %get3A_369] {strides = array<i32>} : memref<160x128xf32, #tpu.memory_space<vmem>>, vector<1x16xf32>,
        %get3A_371 = vector.shape_cast %get3A_370 : vector<1x16xf32> to vector<16xf32>
        %add3A_372 = arith.addf %add3A_365, %get3A_371 : vector<16xf32>
        %get3A_373 = arith.index_cast %scan3A_46 : i32 to index
        %get3A_374 = arith.constant 112 : index
        %get3A_375 = tpu.vector_load %arg13[%get3A_373, %get3A_374] {strides = array<i32>} : memref<32x128xf32, #tpu.memory_space<vmem>>, vector<1x16xf32>,
        %get3A_376 = vector.shape_cast %get3A_375 : vector<1x16xf32> to vector<16xf32>
        %add3A_377 = arith.addf %get3A_376, %add3A_372 : vector<16xf32>
        %swap3A_378 = arith.index_cast %scan3A_46 : i32 to index
        %swap3A_379 = arith.constant 112 : index
        %swap3A_380 = tpu.vector_load %arg13[%swap3A_378, %swap3A_379] {strides = array<i32>} : memref<32x128xf32, #tpu.memory_space<vmem>>, vector<1x16xf32>,
        %swap3A_381 = vector.shape_cast %swap3A_380 : vector<1x16xf32> to vector<16xf32>
        %swap3A_382 = vector.shape_cast %add3A_377 : vector<16xf32> to vector<1x16xf32>
        tpu.vector_store %arg13[%swap3A_378, %swap3A_379], %swap3A_382 {strides = array<i32>} : memref<32x128xf32, #tpu.memory_space<vmem>>, vector<1x16xf32>,
      }
      %scan3A_45 = arith.constant 32 : i32
      "tpu.region"() ({
        %run_scoped3A = tpu.sem_alloc : memref<!tpu.dma_semaphore, #tpu.memory_space<semaphore_mem>>
        %dma_start3A_46 = arith.constant 0 : i32
        %dma_start3A_47 = tpu.memref_slice %arg6[%add3A_11, %dma_start3A_46] : memref<50176x128xf32, #tpu.memory_space<hbm>> -> memref<32x128xf32, #tpu.memory_space<hbm>>
        %dma_start3A_48 = arith.constant 0 : i32
        %dma_start3A_49 = tpu.memref_slice %arg6[%add3A_11, %dma_start3A_48] : memref<50176x128xf32, #tpu.memory_space<hbm>> -> memref<32x128xf32, #tpu.memory_space<hbm>>
        tpu.enqueue_dma source(%arg13 : memref<32x128xf32, #tpu.memory_space<vmem>>) target(%dma_start3A_49 : memref<32x128xf32, #tpu.memory_space<hbm>>) target_semaphore(%run_scoped3A : memref<!tpu.dma_semaphore, #tpu.memory_space<semaphore_mem>>)
        %dma_wait3A_50 = arith.constant 0 : i32
        %dma_wait3A_51 = tpu.memref_slice %arg6[%add3A_11, %dma_wait3A_50] : memref<50176x128xf32, #tpu.memory_space<hbm>> -> memref<32x128xf32, #tpu.memory_space<hbm>>
        %dma_wait3A_52 = arith.constant 0 : i32
        %dma_wait3A_53 = tpu.memref_slice %arg6[%add3A_11, %dma_wait3A_52] : memref<50176x128xf32, #tpu.memory_space<hbm>> -> memref<32x128xf32, #tpu.memory_space<hbm>>
        tpu.wait_dma2 semaphore(%run_scoped3A : memref<!tpu.dma_semaphore, #tpu.memory_space<semaphore_mem>>) src(%arg13 : memref<32x128xf32, #tpu.memory_space<vmem>>) dst(%dma_wait3A_53 : memref<32x128xf32, #tpu.memory_space<hbm>>)
        tpu.yield
      }) : () -> ()
    }
    %scan3A_7 = arith.constant 49 : i32
    return
  }
}

module attributes {stable_mosaic.version = 14 : i64} {
  func.func @_proj_body(%arg0: i32, %arg1: memref<128x128xf32, #tpu.memory_space<vmem>>, %arg2: memref<128x128xf32, #tpu.memory_space<vmem>>, %arg3: memref<1024x128xf32, #tpu.memory_space<vmem>>, %arg4: memref<1024x128xf32, #tpu.memory_space<vmem>>, %arg5: memref<1024x128xf32, #tpu.memory_space<vmem>>) attributes {dimension_semantics = [#tpu.dimension_semantics<arbitrary>], iteration_bounds = array<i64: 49>, scalar_prefetch = 0 : i64, scratch_operands = 0 : i64, tpu.core_type = #tpu.core_type<tc>, window_params = [{pipeline_mode = #tpu.pipeline_mode<synchronous>, transform_indices = @transform_0, window_bounds = array<i64: 128, 128>}, {pipeline_mode = #tpu.pipeline_mode<synchronous>, transform_indices = @transform_1, window_bounds = array<i64: 128, 128>}, {transform_indices = @transform_2, window_bounds = array<i64: 1024, 128>}, {transform_indices = @transform_3, window_bounds = array<i64: 1024, 128>}, {transform_indices = @transform_4, window_bounds = array<i64: 1024, 128>}]} {
    %get3A = arith.constant 0 : index
    %get3A_0 = arith.constant 0 : index
    %get3A_1 = vector.load %arg3[%get3A, %get3A_0] : memref<1024x128xf32, #tpu.memory_space<vmem>>, vector<1024x128xf32>
    %get3A_2 = arith.constant 0 : index
    %get3A_3 = arith.constant 0 : index
    %get3A_4 = vector.load %arg1[%get3A_2, %get3A_3] : memref<128x128xf32, #tpu.memory_space<vmem>>, vector<128x128xf32>
    %dot_general3A = arith.constant dense<0.000000e+00> : vector<1024x128xf32>
    %dot_general3A_5 = tpu.matmul %get3A_1, %get3A_4, %dot_general3A {dimension_numbers = #tpu.dot_dimension_numbers<[1], [1], [0], [0], [0, 0, 1, 0], [], []>, transpose_lhs_hint = false} : vector<1024x128xf32>, vector<128x128xf32>, vector<1024x128xf32> -> vector<1024x128xf32>
    %get3A_6 = arith.constant 0 : index
    %get3A_7 = arith.constant 0 : index
    %get3A_8 = vector.load %arg4[%get3A_6, %get3A_7] : memref<1024x128xf32, #tpu.memory_space<vmem>>, vector<1024x128xf32>
    %get3A_9 = arith.constant 0 : index
    %get3A_10 = arith.constant 0 : index
    %get3A_11 = vector.load %arg2[%get3A_9, %get3A_10] : memref<128x128xf32, #tpu.memory_space<vmem>>, vector<128x128xf32>
    %dot_general3A_12 = arith.constant dense<0.000000e+00> : vector<1024x128xf32>
    %dot_general3A_13 = tpu.matmul %get3A_8, %get3A_11, %dot_general3A_12 {dimension_numbers = #tpu.dot_dimension_numbers<[1], [1], [0], [0], [0, 0, 1, 0], [], []>, transpose_lhs_hint = false} : vector<1024x128xf32>, vector<128x128xf32>, vector<1024x128xf32> -> vector<1024x128xf32>
    %add3A = arith.addf %dot_general3A_5, %dot_general3A_13 : vector<1024x128xf32>
    %max3A = arith.constant 0.000000e+00 : f32
    %max3A_14 = vector.broadcast %max3A : f32 to vector<1024x128xf32>
    %max3A_15 = arith.maximumf %add3A, %max3A_14 : vector<1024x128xf32>
    %swap3A = arith.constant 0 : index
    %swap3A_16 = arith.constant 0 : index
    %swap3A_17 = vector.load %arg5[%swap3A, %swap3A_16] : memref<1024x128xf32, #tpu.memory_space<vmem>>, vector<1024x128xf32>
    tpu.vector_store %arg5[%swap3A, %swap3A_16], %max3A_15 {strides = array<i32>} : memref<1024x128xf32, #tpu.memory_space<vmem>>, vector<1024x128xf32>,
    return
  }
  func.func @transform_0(%arg0: i32) -> (i32, i32) {
    %c0_i32 = arith.constant 0 : i32
    %c0_i32_0 = arith.constant 0 : i32
    %c0_i32_1 = arith.constant 0 : i32
    return %c0_i32, %c0_i32_0 : i32, i32
  }
  func.func @transform_1(%arg0: i32) -> (i32, i32) {
    %c0_i32 = arith.constant 0 : i32
    %c0_i32_0 = arith.constant 0 : i32
    %c0_i32_1 = arith.constant 0 : i32
    return %c0_i32, %c0_i32_0 : i32, i32
  }
  func.func @transform_2(%arg0: i32) -> (i32, i32) {
    %c0_i32 = arith.constant 0 : i32
    %c0_i32_0 = arith.constant 0 : i32
    return %arg0, %c0_i32 : i32, i32
  }
  func.func @transform_3(%arg0: i32) -> (i32, i32) {
    %c0_i32 = arith.constant 0 : i32
    %c0_i32_0 = arith.constant 0 : i32
    return %arg0, %c0_i32 : i32, i32
  }
  func.func @transform_4(%arg0: i32) -> (i32, i32) {
    %c0_i32 = arith.constant 0 : i32
    %c0_i32_0 = arith.constant 0 : i32
    return %arg0, %c0_i32 : i32, i32
  }
}

</mosaic_0001>

<sc_bundles>
// kernel: kernel.4.cloned.1.call-start
scs
__scs_entry_jumppad:
0x0: {  	(pc) =	sbr.rel $0x88, $3  }
0x1: {  	(tag) =	ssettag $0x0;
	lr =	simm.s32 $0x1  }
0x2: {  	[smem:$0x3F9D] =	sst lr;
	_ =	strace $0xD0000000  }
0x3: {  	_ = 	snop  }
0x4: {  	_ = 	snop  }
0x5: {  	_ = 	snop  }
0x6: {  	_ = 	snop  }
0x7: {  	_ = 	snop  }
__scs_overlays_trampoline_lowered:
0x8: {  	[smem:$0x3FAC] =	sst s0  }
0x9: {  	[smem:$0x3FAD] =	sst s1  }
0xa: {  	[smem:$0x3FAE] =	sst s2  }
0xb: {  	[smem:$0x3FAF] =	sst s3  }
0xc: {  	[smem:$0x3FB0] =	sst s4  }
0xd: {  	[smem:$0x3FB1] =	sst s5  }
0xe: {  	[smem:$0x3FB2] =	sst s6  }
0xf: {  	[smem:$0x3FB3] =	sst s7  }
0x10: {  	[smem:$0x3FB4] =	sst s8  }
0x11: {  	[smem:$0x3FB5] =	sst s9;
	s0 =	simm.s32 @!p0 $0x0  }
0x12: {  	s1 =	sld [smem:$0x3F9B];
	s0 =	simm.s32 @p0 $0x1  }
0x13: {  	[smem:$0x3FB6] =	sst s0;
	s0 =	simm.s32 @!p1 $0x0  }
0x14: {  	s2 =	sld [smem:$0x3F9A];
	s0 =	simm.s32 @p1 $0x1  }
0x15: {  	[smem:$0x3FB7] =	sst s0;
	s0 =	simm.s32 @!p2 $0x0  }
0x16: {  	s3 =	sld [smem:$0x3FDB];
	s0 =	simm.s32 @p2 $0x1  }
0x17: {  	s4 =	simm.s32 $0x1BF5;
	[smem:$0x3FB9] =	sst s0  }
0x18: {  	s0 =	sld [smem:$0x3F9C];
	_ =	swait.ge [sflag:s4], $0x0  }
0x19: {  	s7 =	sld [smem:$0x3F9D]  }
0x1a: {  	s8 =	sadd.s32 $0xFFFFE003, lr  }
0x1b: {  	s9 =	sadd.s32 $0xFFFFFEF7, lr;
	s5 =	simm.s32 $0xFFFFFFFF;
	p2 =	slt.u32 s8, $0xFFFFF086  }
0x1c: {  	p1 =	slt.u32 s9, $0xF7A;
	s5 =	simm.s32 @!p2 $0x0  }
0x1d: {  	s5 =	simm.s32 @p1 $0x1;
	p0 =	seq.s32 s7, s2  }
0x1e: {  	s7 =	smul.u32 @!p0 $0xF7A, s2;
	p2 =	seq.s32 @!p0 s5, $0x0  }
0x1f: {  	s9 =	smul.u32 $0xF7A, s1;
	s8 =	simm.s32 @!p0 $0x1BF5;
	p2 =	por !p2, p0  }
0x20: {  	[sflag:s8] =	ssyncset.s32 @!p0 $0xFFFFF086;
	s6 =	sadd.s32 @!p0 s3, s7;
	s7 =	simm.s32 @!p0 $0x108  }
0x21: {  	s3 =	sadd.s32 s3, s9;
	s6 =	sadd.s32 @!p0 $0x88, s6;
	s7 =	simm.s32 @p2 $0x1082  }
0x22: {  	[simem:s7], [sflag:s8] =	dma.local @!p0 [hbm:s6], $0xF7A  }
0x23: {  	s9 =	sor.u32 $0xD0000000, s2;
	s6 =	simm.s32 $0x108;
	_ =	swait.ge @!p0 [sflag:s8], $0x0  }
0x24: {  	s3 =	sadd.s32 $0x88, s3;
	s6 =	simm.s32 @!p1 $0x1082;
	[sflag:s4] =	ssyncset.s32 $0xFFFFF086  }
0x25: {  	[simem:s6], [sflag:s4] =	dma.local [hbm:s3], $0xF7A  }
0x26: {  	[smem:$0x3F9D] =	sst s1;
	(tag) =	ssettag s2;
	_ =	strace s9  }
0x27: {  	s1 =	sld [smem:$0x3FAD]  }
0x28: {  	s2 =	sld [smem:$0x3FAE]  }
0x29: {  	s4 =	sld [smem:$0x3FB0]  }
0x2a: {  	p0 =	seq.s32 s5, $0x0;
	s5 =	sld [smem:$0x3FB1]  }
0x2b: {  	s6 =	sld [smem:$0x3FB2]  }
0x2c: {  	s7 =	sld [smem:$0x3FB3]  }
0x2d: {  	s3 =	simm.s32 $0x108;
	s8 =	sld [smem:$0x3FB4]  }
0x2e: {  	s3 =	simm.s32 @!p0 $0x1082;
	s9 =	sld [smem:$0x3FB5]  }
0x2f: {  	lr =	sadd.s32 s0, s3;
	s0 =	sld [smem:$0x3FAC]  }
0x30: {  	s3 =	sld [smem:$0x3FAF]  }
0x31: {  	[smem:$0x3FB8] =	sst s10  }
0x32: {  	s10 =	sld [smem:$0x3FB6];
	_ =	sdelay $0x3  }
0x33: {  	p0 =	seq.s32 s10, $0x1;
	s10 =	sld [smem:$0x3FB8];
	_ =	sdelay $0x3  }
0x34: {  	[smem:$0x3FB8] =	sst s10  }
0x35: {  	s10 =	sld [smem:$0x3FB7];
	_ =	sdelay $0x3  }
0x36: {  	p1 =	seq.s32 s10, $0x1;
	s10 =	sld [smem:$0x3FB8];
	_ =	sdelay $0x3  }
0x37: {  	[smem:$0x3FB8] =	sst s10  }
0x38: {  	s10 =	sld [smem:$0x3FB9]  }
0x39: {  	_ = 	snop;
	(pc) =	sbr.ind lr, $3  }
0x3a: {  	_ = 	snop  }
0x3b: {  	_ = 	snop  }
0x3c: {  	p2 =	seq.s32 s10, $0x1;
	s10 =	sld [smem:$0x3FB8]  }
0x3d: {  	_ =	shalt  }
0x3e: {  	_ =	shalt  }
0x3f: {  	_ =	shalt  }
0x40: {  	_ =	shalt  }
0x41: {  	_ =	shalt  }
0x42: {  	_ =	shalt  }
0x43: {  	_ =	shalt  }
0x44: {  	_ =	shalt  }
0x45: {  	_ =	shalt  }
0x46: {  	_ =	shalt  }
0x47: {  	_ =	shalt  }
0x48: {  	_ =	shalt  }
0x49: {  	_ =	shalt  }
0x4a: {  	_ =	shalt  }
0x4b: {  	_ =	shalt  }
0x4c: {  	_ =	shalt  }
0x4d: {  	_ =	shalt  }
0x4e: {  	_ =	shalt  }
0x4f: {  	_ =	shalt  }
0x50: {  	_ =	shalt  }
0x51: {  	_ =	shalt  }
0x52: {  	_ =	shalt  }
0x53: {  	_ =	shalt  }
0x54: {  	_ =	shalt  }
0x55: {  	_ =	shalt  }
0x56: {  	_ =	shalt  }
0x57: {  	_ =	shalt  }
0x58: {  	_ =	shalt  }
0x59: {  	_ =	shalt  }
0x5a: {  	_ =	shalt  }
0x5b: {  	_ =	shalt  }
0x5c: {  	_ =	shalt  }
0x5d: {  	_ =	shalt  }
0x5e: {  	_ =	shalt  }
0x5f: {  	_ =	shalt  }
0x60: {  	_ =	shalt  }
0x61: {  	_ =	shalt  }
0x62: {  	_ =	shalt  }
0x63: {  	_ =	shalt  }
0x64: {  	_ =	shalt  }
0x65: {  	_ =	shalt  }
0x66: {  	_ =	shalt  }
0x67: {  	_ =	shalt  }
0x68: {  	_ =	shalt  }
0x69: {  	_ =	shalt  }
0x6a: {  	_ =	shalt  }
0x6b: {  	_ =	shalt  }
0x6c: {  	_ =	shalt  }
0x6d: {  	_ =	shalt  }
0x6e: {  	_ =	shalt  }
0x6f: {  	_ =	shalt  }
0x70: {  	_ =	shalt  }
0x71: {  	_ =	shalt  }
0x72: {  	_ =	shalt  }
0x73: {  	_ =	shalt  }
0x74: {  	_ =	shalt  }
0x75: {  	_ =	shalt  }
0x76: {  	_ =	shalt  }
0x77: {  	_ =	shalt  }
0x78: {  	_ =	shalt  }
0x79: {  	_ =	shalt  }
0x7a: {  	_ =	shalt  }
0x7b: {  	_ =	shalt  }
0x7c: {  	_ =	shalt  }
0x7d: {  	_ =	shalt  }
0x7e: {  	_ =	shalt  }
0x7f: {  	_ =	shalt  }
0x80: {  	_ =	shalt  }
0x81: {  	_ =	shalt  }
0x82: {  	_ =	shalt  }
0x83: {  	_ =	shalt  }
0x84: {  	_ =	shalt  }
0x85: {  	_ =	shalt  }
0x86: {  	_ =	shalt  }
0x87: {  	_ =	shalt  }
.Lfunc_end0:
.L_simem_size_0:
called_computation_lowered:
.L_overlay_start_0:
0x88: {  	s2 =	sld [smem:$0x3FD9]  }
0x89: {  	s3 =	sld [smem:$0x3FFE];
	_ =	sdelay $0x1  }
0x8a: {  	s1 =	srdreg.scid  }
0x8b: {  	s0 =	sand.u32 $0x1, s1  }
0x8c: {  	s17 =	sshll.u32 s0, $0xA;
	s2 =	sadd.s32 s3, s2  }
0x8d: {  	s2 =	sadd.s32 s2, s17  }
0x8e: {  	[smem:$0x3FC4] =	sst s2  }
0x8f: {  	_ = 	snop  }
0x90: {  	s2 =	sld [smem:$0x3FC7]  }
0x91: {  	s18 =	sld [smem:$0x3FD0];
	(tm) =	ssettm $0x1  }
0x92: {  	s4 =	sld [smem:$0x3FFB];
	_ =	sdelay $0x3  }
0x93: {  	_ =	strace s4  }
0x94: {  	s4 =	sld [smem:$0x3FFC];
	_ =	sdelay $0x3  }
0x95: {  	_ =	strace s4  }
0x96: {  	s4 =	sld [smem:$0x3FFD];
	_ =	sdelay $0x3  }
0x97: {  	_ =	strace s4  }
0x98: {  	_ =	strace $0x8FFFFFFF  }
0x99: {  	s19 =	sld [smem:$0x3FDB];
	_ =	sdelay $0x1  }
0x9a: {  	s5 =	simm.s32 $_scs_section_size  }
0x9b: {  	s6 =	simm.s32 $_size__tile_overlayer_lowered;
	s7 =	simm.s32 $_tile_overlayer_lowered  }
0x9c: {  	s22 =	simm.s32 $0x1BFF;
	s21 =	sshll.u32 s7, $0x1;
	s4 =	sadd.s32 s5, s19  }
0x9d: {  	s8 =	simm.s32 $0x0;
	s20 =	sshll.u32 s6, $0x1;
	s6 =	sadd.s32 s21, s4  }
0x9e: {  	[timem:s8], [sflag:s22] =	dma.local [hbm:s6], s20  }
0x9f: {  	_ =	swait.ge [sflag:s22], s20  }
0xa0: {  	s5 =	ssub.s32 $0x0, s20;
	[sflag:s22] =	ssyncset.done $0x0  }
0xa1: {  	[sflag:s22] =	ssyncadd.s32 s5;
	_ =	sdelay $0x1  }
0xa2: {  	s23 =	simm.s32 $0x1B8B  }
0xa3: {  	_ =	swait.ge [sflag:s23], $0x1  }
0xa4: {  	[sflag:s23] =	ssyncset.done $0x0  }
0xa5: {  	s25 =	simm.s32 $0x1B8E;
	s24 =	sld [smem:$0x3FFE];
	[sflag:s23] =	ssyncadd.s32 $0xFFFFFFFF  }
0xa6: {  	s26 =	simm.s32 $execute0_lowered;
	[smem:$0x3FD2] =	sst s25  }
0xa7: {  	s6 =	sshll.u32 s26, $0x1;
	_ =	strace $0x80000046;
	[dreg:$0x1] =	wrdreg $0xFFFFFFFF  }
0xa8: {  	s28 =	simm.s32 $_size_execute0_lowered;
	s4 =	sadd.s32 s4, s6;
	[dreg:$0x0] =	wrdreg $0x0  }
0xa9: {  	s6 =	sshll.u32 s28, $0x1;
	[dreg:$0x2] =	wrdreg s4  }
0xaa: {  	[dreg:$0x3] =	wrdreg s6  }
0xab: {  	[dreg:$0x4] =	wrdreg $0xC0  }
0xac: {  	_ =	task [dreg:s8], $0x5FFFF  }
0xad: {  	[dreg:$0x1] =	wrdreg $0xFFFFFFFF  }
0xae: {  	[dreg:$0x0] =	wrdreg $0x60  }
0xaf: {  	[dreg:$0x2] =	wrdreg s24  }
0xb0: {  	[dreg:$0x3] =	wrdreg s18  }
0xb1: {  	[dreg:$0x4] =	wrdreg s2  }
0xb2: {  	[dreg:$0x5] =	wrdreg $0x9  }
0xb3: {  	_ =	task.clear_ibuf [dreg:s8], $0x6FFFF;
	_ =	strace $0x90000046  }
0xb4: {  	s29 =	simm.s32 $0x9;
	_ =	strace $0x80000048  }
0xb5: {  	_ =	swait.ge [sflag:s29], $0x1  }
0xb6: {  	[sflag:s29] =	ssyncadd.s32 $0xFFFFFFFF  }
0xb7: {  	_ =	strace $0x90000048  }
0xb8: {  	_ =	sfence  }
0xb9: {  	s30 =	sld [smem:$0x0];
	_ =	sdelay $0x2  }
0xba: {  	s31 =	sshll.u32 s1, $0xD;
	s1 =	sshrl.u32 s1, $0x2  }
0xbb: {  	s3 =	sand.u32 $0x4000, s31;
	s1 =	sadd.s32 s1, s30  }
0xbc: {  	s0 =	sor.u32 s3, s0;
	s1 =	sshll.u32 s1, $0x11  }
0xbd: {  	s0 =	sor.u32 s1, s0  }
0xbe: {  	s0 =	sadd.s32 $0x8F2B, s0  }
0xbf: {  	[sflag:s0] =	ssyncadd.remote.s32 $0x1  }
0xc0: {  	_ =	sfence.sel $0xFFFF  }
0xc1: {  	[dreg:$0x0] =	wrdreg $0xFFFFFFFF;
	(pc) =	sbr.abs _section_cstart, $3  }
0xc2: {  	[dreg:$0x1] =	wrdreg $0xFFFFFFFF  }
0xc3: {  	_ =	task.clear_ibuf [dreg:s8], $0x2FFFF;
	_ =	strace $0x9FFFFFFF  }
0xc4: {  	(tm) =	ssettm $0x7FFFFFFF  }
0xc5: {  	_ =	shalt  }
tec
execute0_lowered:
.L_overlay_start_1:
0x0: {  	(tag) =	ssettag $0x1  }
0x1: {  	s7 =	rddreg [dreg:$0x0]  }
0x2: {  	s1 =	rddreg [dreg:$0x1]  }
0x3: {  	s2 =	rddreg [dreg:$0x2]  }
0x4: {  	s0 =	rddreg [dreg:$0x3];
	s3 =	simm.s32 $0x0;
	s4 =	srdreg.scid  }
0x5: {  	s12 =	simm.s32 $0x180;
	s13 =	simm.s32 $0x20;
	s14 =	simm.s32 $0x280  }
0x6: {  	s15 =	simm.s32 $0xA0;
	s16 =	simm.s32 $0x1280;
	s17 =	simm.s32 $0x6280  }
0x7: {  	s18 =	simm.s32 $0x1;
	s19 =	simm.s32 $0x2;
	s20 =	simm.s32 $0x3  }
0x8: {  	s21 =	simm.s32 $0xB280;
	s22 =	simm.s32 $0x0;
	[smem:$0x7FF] =	sst s3  }
0x9: {  	s8 =	sand.u32 $0x1, s4;
	s5 =	sadd.s32 $0x1000, s7;
	s4 =	stileid.u32  }
0xa: {  	s6 =	sadd.s32 $0x2A00, s7;
	s7 =	sadd.s32 $0xC6A00, s7;
	s9 =	ssub.s32 $0x2, s8  }
0xb: {  	_ =	strace $0x80000047;
	s11 =	sshll.u32 s4, $0x1;
	s10 =	sshrl.u32 s9, $0x1  }
0xc: {  	s8 =	sor.u32 s8, s11;
	s11 =	simm.s32 $0x80;
	s9 =	ssub.s32 s9, s10  }
0xd: {  	s8 =	smul.u32 $0x620, s8;
	s10 =	simm.s32 $0x4;
	s9 =	smax.u32 s9, $0x1  }
.LBB2_1:
0xe: {  	s23 =	simm.s32 $0x0  }
.LBB2_2:
0xf: {  	s24 =	sshll.u32 s23, $0x5  }
0x10: {  	s24 =	sadd.s32 s8, s24  }
0x11: {  	s25 =	sshrl.u32 s24, $0x3  }
0x12: {  	s26 =	simm.s32 $0x0;
	s30 =	smul.u32 $0x5, s24;
	s25 =	sadd.s32 s5, s25  }
0x13: {  	[tilespmem:s26], [sflag:$0x4] =	stream.linear.gather [hbm4b:s25+s26], $0x20, $0x38;
	[tilespmem:$0xC280] =	vst v63  }
0x14: {  	_ =	swait.ge [sflag:s10], $0x20  }
0x15: {  	s25 =	sshrl.u32 s30, $0x3;
	[sflag:s10] =	ssyncset.done $0x0  }
0x16: {  	s25 =	sadd.s32 s1, s25;
	[sflag:s10] =	ssyncadd.s32 $0xFFFFFFE0  }
0x17: {  	[tilespmem:s11], [sflag:$0x4] =	stream.linear.gather [hbm4b:s25+s26], $0xA0, $0x38;
	[tilespmem:$0xC280] =	vst v63  }
0x18: {  	_ =	swait.ge [sflag:s10], $0xA0  }
0x19: {  	[sflag:s10] =	ssyncset.done $0x0  }
0x1a: {  	s25 =	sadd.s32 $0x7A80, s25;
	[sflag:s10] =	ssyncadd.s32 $0xFFFFFF60  }
0x1b: {  	[tilespmem:s12], [sflag:$0x4] =	stream.linear.gather [hbm4b:s25+s26], $0xA0, $0x38;
	[tilespmem:$0xC280] =	vst v63  }
0x1c: {  	_ =	swait.ge [sflag:s10], $0xA0  }
0x1d: {  	[sflag:s10] =	ssyncset.done $0x0  }
0x1e: {  	[sflag:s10] =	ssyncadd.s32 $0xFFFFFF60  }
0x1f: {  	[tilespmem:s14], [sflag:$0x1] =	stream.indirect.gather [hbm4b:s2+s13], $0x80, s26, s13, $0xb8;
	[tilespmem:$0xC280] =	vst v63  }
0x20: {  	_ = 	snop  }
0x21: {  	[tilespmem:s16], [sflag:$0x2] =	stream.indirect.gather [hbm4b:s2+s15], $0x80, s11, s15, $0xb8;
	[tilespmem:$0xC280] =	vst v63  }
0x22: {  	_ = 	snop  }
0x23: {  	[tilespmem:s17], [sflag:$0x3] =	stream.indirect.gather [hbm4b:s2+s15], $0x80, s12, s15, $0xb8;
	[tilespmem:$0xC280] =	vst v63  }
0x24: {  	_ =	swait.ge [sflag:s18], $0x1000  }
0x25: {  	s24 =	sshll.u32 s24, $0x4;
	[sflag:s18] =	ssyncset.done $0x0  }
0x26: {  	s31 =	sadd.s32 s6, s24;
	[sflag:s18] =	ssyncadd.s32 $0xFFFFF000  }
0x27: {  	[hbm4b:s31+s26] =	stream.linear.scatter [tilespmem:s14], [sflag:$0x4], $0x1000, $0x38;
	[tilespmem:$0xC280] =	vst v63  }
0x28: {  	_ =	swait.ge [sflag:s10], $0x1000  }
0x29: {  	[sflag:s10] =	ssyncset.done $0x0  }
0x2a: {  	[sflag:s10] =	ssyncadd.s32 $0xFFFFF000  }
0x2b: {  	_ =	swait.ge [sflag:s19], $0x5000  }
0x2c: {  	[sflag:s19] =	ssyncset.done $0x0  }
0x2d: {  	s25 =	simm.s32 $0x13C0;
	[sflag:s19] =	ssyncadd.s32 $0xFFFFB000  }
0x2e: {  	v0 =	vld [tilespmem:s25+$0xFFFFFF40]  }
0x2f: {  	v1 =	vld [tilespmem:s25+$0xFFFFFEC0];
	_ =	sdelay $0x1  }
0x30: {  	v2 =	vld [tilespmem:s25+$0xFFFFFFC0];
	_ =	sdelay $0x1  }
0x31: {  	v3 =	vld [tilespmem:s25+$0x40]  }
0x32: {  	v0 =	vadd.f32 v0, v1  }
0x33: {  	v1 =	vld [tilespmem:s25+$0xC0]  }
0x34: {  	v0 =	vadd.f32 v2, v0;
	_ =	sdelay $0x1  }
0x35: {  	v0 =	vadd.f32 v3, v0;
	_ =	sdelay $0x1  }
0x36: {  	v0 =	vadd.f32 v1, v0  }
0x37: {  	s26 =	simm.s32 $0x0  }
0x38: {  	[tilespmem:s26+$0xB280] =	vst v0  }
0x39: {  	v0 =	vld [tilespmem:s25+$0xFFFFFED0]  }
0x3a: {  	v1 =	vld [tilespmem:s25+$0xFFFFFF50];
	_ =	sdelay $0x1  }
0x3b: {  	v2 =	vld [tilespmem:s25+$0xFFFFFFD0];
	_ =	sdelay $0x1  }
0x3c: {  	v3 =	vld [tilespmem:s25+$0x50]  }
0x3d: {  	v0 =	vadd.f32 v1, v0  }
0x3e: {  	v1 =	vld [tilespmem:s25+$0xD0]  }
0x3f: {  	v0 =	vadd.f32 v2, v0;
	_ =	sdelay $0x1  }
0x40: {  	v0 =	vadd.f32 v3, v0;
	_ =	sdelay $0x1  }
0x41: {  	v0 =	vadd.f32 v1, v0;
	_ =	sdelay $0x1  }
0x42: {  	[tilespmem:s26+$0xB290] =	vst v0  }
0x43: {  	v0 =	vld [tilespmem:s25+$0xFFFFFEE0]  }
0x44: {  	v1 =	vld [tilespmem:s25+$0xFFFFFF60];
	_ =	sdelay $0x1  }
0x45: {  	v2 =	vld [tilespmem:s25+$0xFFFFFFE0];
	_ =	sdelay $0x1  }
0x46: {  	v3 =	vld [tilespmem:s25+$0x60]  }
0x47: {  	v0 =	vadd.f32 v1, v0  }
0x48: {  	v1 =	vld [tilespmem:s25+$0xE0]  }
0x49: {  	v0 =	vadd.f32 v2, v0;
	_ =	sdelay $0x1  }
0x4a: {  	v0 =	vadd.f32 v3, v0;
	_ =	sdelay $0x1  }
0x4b: {  	v0 =	vadd.f32 v1, v0;
	_ =	sdelay $0x1  }
0x4c: {  	[tilespmem:s26+$0xB2A0] =	vst v0  }
0x4d: {  	v0 =	vld [tilespmem:s25+$0xFFFFFEF0]  }
0x4e: {  	v1 =	vld [tilespmem:s25+$0xFFFFFF70];
	_ =	sdelay $0x1  }
0x4f: {  	v2 =	vld [tilespmem:s25+$0xFFFFFFF0];
	_ =	sdelay $0x1  }
0x50: {  	v3 =	vld [tilespmem:s25+$0x70]  }
0x51: {  	v0 =	vadd.f32 v1, v0  }
0x52: {  	v1 =	vld [tilespmem:s25+$0xF0]  }
0x53: {  	v0 =	vadd.f32 v2, v0;
	_ =	sdelay $0x1  }
0x54: {  	v0 =	vadd.f32 v3, v0;
	_ =	sdelay $0x1  }
0x55: {  	v0 =	vadd.f32 v1, v0;
	_ =	sdelay $0x1  }
0x56: {  	[tilespmem:s26+$0xB2B0] =	vst v0  }
0x57: {  	v0 =	vld [tilespmem:s25+$0xFFFFFF00]  }
0x58: {  	v1 =	vld [tilespmem:s25+$0xFFFFFF80];
	_ =	sdelay $0x1  }
0x59: {  	v2 =	vld [tilespmem:s25+$0x0];
	_ =	sdelay $0x1  }
0x5a: {  	v3 =	vld [tilespmem:s25+$0x80]  }
0x5b: {  	v0 =	vadd.f32 v1, v0  }
0x5c: {  	v1 =	vld [tilespmem:s25+$0x100]  }
0x5d: {  	v0 =	vadd.f32 v2, v0;
	_ =	sdelay $0x1  }
0x5e: {  	v0 =	vadd.f32 v3, v0;
	_ =	sdelay $0x1  }
0x5f: {  	v0 =	vadd.f32 v1, v0;
	_ =	sdelay $0x1  }
0x60: {  	[tilespmem:s26+$0xB2C0] =	vst v0  }
0x61: {  	v0 =	vld [tilespmem:s25+$0xFFFFFF10]  }
0x62: {  	v1 =	vld [tilespmem:s25+$0xFFFFFF90];
	_ =	sdelay $0x1  }
0x63: {  	v2 =	vld [tilespmem:s25+$0x10];
	_ =	sdelay $0x1  }
0x64: {  	v3 =	vld [tilespmem:s25+$0x90]  }
0x65: {  	v0 =	vadd.f32 v1, v0  }
0x66: {  	v1 =	vld [tilespmem:s25+$0x110]  }
0x67: {  	v0 =	vadd.f32 v2, v0;
	_ =	sdelay $0x1  }
0x68: {  	v0 =	vadd.f32 v3, v0;
	_ =	sdelay $0x1  }
0x69: {  	v0 =	vadd.f32 v1, v0;
	_ =	sdelay $0x1  }
0x6a: {  	[tilespmem:s26+$0xB2D0] =	vst v0  }
0x6b: {  	v0 =	vld [tilespmem:s25+$0xFFFFFF20]  }
0x6c: {  	v1 =	vld [tilespmem:s25+$0xFFFFFFA0];
	_ =	sdelay $0x1  }
0x6d: {  	v2 =	vld [tilespmem:s25+$0x20];
	_ =	sdelay $0x1  }
0x6e: {  	v3 =	vld [tilespmem:s25+$0xA0]  }
0x6f: {  	v0 =	vadd.f32 v1, v0  }
0x70: {  	v1 =	vld [tilespmem:s25+$0x120]  }
0x71: {  	v0 =	vadd.f32 v2, v0;
	_ =	sdelay $0x1  }
0x72: {  	v0 =	vadd.f32 v3, v0;
	_ =	sdelay $0x1  }
0x73: {  	v0 =	vadd.f32 v1, v0;
	_ =	sdelay $0x1  }
0x74: {  	[tilespmem:s26+$0xB2E0] =	vst v0  }
0x75: {  	v3 =	vld [tilespmem:s25+$0xFFFFFF30]  }
0x76: {  	v4 =	vld [tilespmem:s25+$0xFFFFFFB0]  }
0x77: {  	v2 =	vld [tilespmem:s25+$0x30]  }
0x78: {  	v0 =	vld [tilespmem:s25+$0xB0]  }
0x79: {  	s28 =	simm.s32 $0x200;
	v1 =	vld [tilespmem:s25+$0x130]  }
.LBB2_3:
0x7a: {  	p0 =	sne.s32 s28, $0x3E00  }
0x7b: {  	s25 =	sadd.s32 $0x280, s25;
	s29 =	smov.u32 s28;
	s28 =	sadd.s32 $0x200, s28;
	v3 =	vadd.f32 v4, v3  }
0x7c: {  	_ = 	snop  }
0x7d: {  	v2 =	vadd.f32 v2, v3;
	_ =	sdelay $0x1  }
0x7e: {  	v0 =	vadd.f32 v0, v2;
	_ =	sdelay $0x1  }
0x7f: {  	v0 =	vadd.f32 v1, v0;
	_ =	sdelay $0x1  }
0x80: {  	[tilespmem:s26+$0xB2F0] =	vst v0  }
0x81: {  	v0 =	vld [tilespmem:s25+$0xFFFFFF40]  }
0x82: {  	v1 =	vld [tilespmem:s25+$0xFFFFFEC0]  }
0x83: {  	v2 =	vld [tilespmem:s25+$0xFFFFFFC0];
	_ =	sdelay $0x2  }
0x84: {  	v3 =	vld [tilespmem:s25+$0x40]  }
0x85: {  	v0 =	vadd.f32 v0, v1  }
0x86: {  	v1 =	vld [tilespmem:s25+$0xC0]  }
0x87: {  	v0 =	vadd.f32 v2, v0;
	_ =	sdelay $0x1  }
0x88: {  	v0 =	vadd.f32 v3, v0;
	_ =	sdelay $0x1  }
0x89: {  	v0 =	vadd.f32 v1, v0  }
0x8a: {  	s26 =	sshra.s32 s29, $0x2  }
0x8b: {  	[tilespmem:s26+$0xB280] =	vst v0  }
0x8c: {  	v0 =	vld [tilespmem:s25+$0xFFFFFED0]  }
0x8d: {  	v1 =	vld [tilespmem:s25+$0xFFFFFF50];
	_ =	sdelay $0x1  }
0x8e: {  	v2 =	vld [tilespmem:s25+$0xFFFFFFD0];
	_ =	sdelay $0x1  }
0x8f: {  	v3 =	vld [tilespmem:s25+$0x50]  }
0x90: {  	v0 =	vadd.f32 v1, v0  }
0x91: {  	v1 =	vld [tilespmem:s25+$0xD0]  }
0x92: {  	v0 =	vadd.f32 v2, v0;
	_ =	sdelay $0x1  }
0x93: {  	v0 =	vadd.f32 v3, v0;
	_ =	sdelay $0x1  }
0x94: {  	v0 =	vadd.f32 v1, v0;
	_ =	sdelay $0x1  }
0x95: {  	[tilespmem:s26+$0xB290] =	vst v0  }
0x96: {  	v0 =	vld [tilespmem:s25+$0xFFFFFEE0]  }
0x97: {  	v1 =	vld [tilespmem:s25+$0xFFFFFF60];
	_ =	sdelay $0x1  }
0x98: {  	v2 =	vld [tilespmem:s25+$0xFFFFFFE0];
	_ =	sdelay $0x1  }
0x99: {  	v3 =	vld [tilespmem:s25+$0x60]  }
0x9a: {  	v0 =	vadd.f32 v1, v0  }
0x9b: {  	v1 =	vld [tilespmem:s25+$0xE0]  }
0x9c: {  	v0 =	vadd.f32 v2, v0;
	_ =	sdelay $0x1  }
0x9d: {  	v0 =	vadd.f32 v3, v0;
	_ =	sdelay $0x1  }
0x9e: {  	v0 =	vadd.f32 v1, v0;
	_ =	sdelay $0x1  }
0x9f: {  	[tilespmem:s26+$0xB2A0] =	vst v0  }
0xa0: {  	v0 =	vld [tilespmem:s25+$0xFFFFFEF0]  }
0xa1: {  	v1 =	vld [tilespmem:s25+$0xFFFFFF70];
	_ =	sdelay $0x1  }
0xa2: {  	v2 =	vld [tilespmem:s25+$0xFFFFFFF0];
	_ =	sdelay $0x1  }
0xa3: {  	v3 =	vld [tilespmem:s25+$0x70]  }
0xa4: {  	v0 =	vadd.f32 v1, v0  }
0xa5: {  	v1 =	vld [tilespmem:s25+$0xF0]  }
0xa6: {  	v0 =	vadd.f32 v2, v0;
	_ =	sdelay $0x1  }
0xa7: {  	v0 =	vadd.f32 v3, v0;
	_ =	sdelay $0x1  }
0xa8: {  	v0 =	vadd.f32 v1, v0;
	_ =	sdelay $0x1  }
0xa9: {  	[tilespmem:s26+$0xB2B0] =	vst v0  }
0xaa: {  	v0 =	vld [tilespmem:s25+$0xFFFFFF00]  }
0xab: {  	v1 =	vld [tilespmem:s25+$0xFFFFFF80];
	_ =	sdelay $0x1  }
0xac: {  	v2 =	vld [tilespmem:s25+$0x0];
	_ =	sdelay $0x1  }
0xad: {  	v3 =	vld [tilespmem:s25+$0x80]  }
0xae: {  	v0 =	vadd.f32 v1, v0  }
0xaf: {  	v1 =	vld [tilespmem:s25+$0x100]  }
0xb0: {  	v0 =	vadd.f32 v2, v0;
	_ =	sdelay $0x1  }
0xb1: {  	v0 =	vadd.f32 v3, v0;
	_ =	sdelay $0x1  }
0xb2: {  	v0 =	vadd.f32 v1, v0;
	_ =	sdelay $0x1  }
0xb3: {  	[tilespmem:s26+$0xB2C0] =	vst v0  }
0xb4: {  	v0 =	vld [tilespmem:s25+$0xFFFFFF10]  }
0xb5: {  	v1 =	vld [tilespmem:s25+$0xFFFFFF90]  }
0xb6: {  	v2 =	vld [tilespmem:s25+$0x10]  }
0xb7: {  	v3 =	vld [tilespmem:s25+$0x90]  }
0xb8: {  	v4 =	vld [tilespmem:s25+$0x110];
	_ =	sdelay $0x1  }
0xb9: {  	v0 =	vadd.f32 v1, v0;
	_ =	sdelay $0x1  }
0xba: {  	v0 =	vadd.f32 v2, v0;
	_ =	sdelay $0x1  }
0xbb: {  	v0 =	vadd.f32 v3, v0;
	_ =	sdelay $0x1  }
0xbc: {  	v0 =	vadd.f32 v4, v0;
	_ =	sdelay $0x1  }
0xbd: {  	[tilespmem:s26+$0xB2D0] =	vst v0  }
0xbe: {  	v0 =	vld [tilespmem:s25+$0xFFFFFF20]  }
0xbf: {  	v1 =	vld [tilespmem:s25+$0xFFFFFFA0]  }
0xc0: {  	v2 =	vld [tilespmem:s25+$0x20]  }
0xc1: {  	v3 =	vld [tilespmem:s25+$0xA0]  }
0xc2: {  	v4 =	vld [tilespmem:s25+$0x120];
	_ =	sdelay $0x1  }
0xc3: {  	v0 =	vadd.f32 v1, v0;
	_ =	sdelay $0x1  }
0xc4: {  	v0 =	vadd.f32 v2, v0;
	_ =	sdelay $0x1  }
0xc5: {  	v0 =	vadd.f32 v3, v0;
	_ =	sdelay $0x1  }
0xc6: {  	v0 =	vadd.f32 v4, v0;
	_ =	sdelay $0x1  }
0xc7: {  	[tilespmem:s26+$0xB2E0] =	vst v0  }
.Ltmp0:
0xc8: {  	v3 =	vld [tilespmem:s25+$0xFFFFFF30];
	(pc) =	sbr.rel @p0 .LBB2_3-.Ltmp0, $4  }
0xc9: {  	v4 =	vld [tilespmem:s25+$0xFFFFFFB0]  }
0xca: {  	v2 =	vld [tilespmem:s25+$0x30]  }
0xcb: {  	v0 =	vld [tilespmem:s25+$0xB0]  }
0xcc: {  	v1 =	vld [tilespmem:s25+$0x130]  }
0xcd: {  	_ = 	snop  }
0xce: {  	v3 =	vadd.f32 v4, v3;
	_ =	sdelay $0x1  }
0xcf: {  	v2 =	vadd.f32 v2, v3;
	_ =	sdelay $0x1  }
0xd0: {  	v0 =	vadd.f32 v0, v2;
	_ =	sdelay $0x1  }
0xd1: {  	v0 =	vadd.f32 v1, v0;
	_ =	sdelay $0x1  }
0xd2: {  	[tilespmem:s26+$0xB2F0] =	vst v0  }
0xd3: {  	_ =	swait.ge [sflag:s20], $0x5000  }
0xd4: {  	[sflag:s20] =	ssyncset.done $0x0  }
0xd5: {  	s25 =	simm.s32 $0x63C0;
	[sflag:s20] =	ssyncadd.s32 $0xFFFFB000  }
0xd6: {  	v0 =	vld [tilespmem:s25+$0xFFFFFF40]  }
0xd7: {  	v1 =	vld [tilespmem:s25+$0xFFFFFEC0];
	_ =	sdelay $0x1  }
0xd8: {  	v2 =	vld [tilespmem:s25+$0xFFFFFFC0];
	_ =	sdelay $0x1  }
0xd9: {  	v3 =	vld [tilespmem:s25+$0x40]  }
0xda: {  	v0 =	vadd.f32 v0, v1  }
0xdb: {  	v1 =	vld [tilespmem:s25+$0xC0]  }
0xdc: {  	s26 =	simm.s32 $0x0;
	v0 =	vadd.f32 v2, v0  }
0xdd: {  	v2 =	vld [tilespmem:s26+$0xB280]  }
0xde: {  	v0 =	vadd.f32 v3, v0;
	_ =	sdelay $0x1  }
0xdf: {  	v0 =	vadd.f32 v1, v0;
	_ =	sdelay $0x1  }
0xe0: {  	v0 =	vadd.f32 v0, v2;
	_ =	sdelay $0x1  }
0xe1: {  	[tilespmem:s26+$0xB280] =	vst v0  }
0xe2: {  	v0 =	vld [tilespmem:s25+$0xFFFFFED0]  }
0xe3: {  	v1 =	vld [tilespmem:s25+$0xFFFFFF50];
	_ =	sdelay $0x1  }
0xe4: {  	v2 =	vld [tilespmem:s25+$0xFFFFFFD0];
	_ =	sdelay $0x1  }
0xe5: {  	v3 =	vld [tilespmem:s25+$0x50]  }
0xe6: {  	v0 =	vadd.f32 v1, v0  }
0xe7: {  	v1 =	vld [tilespmem:s25+$0xD0]  }
0xe8: {  	v0 =	vadd.f32 v2, v0  }
0xe9: {  	v2 =	vld [tilespmem:s26+$0xB290]  }
0xea: {  	v0 =	vadd.f32 v3, v0;
	_ =	sdelay $0x1  }
0xeb: {  	v0 =	vadd.f32 v1, v0;
	_ =	sdelay $0x1  }
0xec: {  	v0 =	vadd.f32 v0, v2;
	_ =	sdelay $0x1  }
0xed: {  	[tilespmem:s26+$0xB290] =	vst v0  }
0xee: {  	v0 =	vld [tilespmem:s25+$0xFFFFFEE0]  }
0xef: {  	v1 =	vld [tilespmem:s25+$0xFFFFFF60];
	_ =	sdelay $0x1  }
0xf0: {  	v2 =	vld [tilespmem:s25+$0xFFFFFFE0];
	_ =	sdelay $0x1  }
0xf1: {  	v3 =	vld [tilespmem:s25+$0x60]  }
0xf2: {  	v0 =	vadd.f32 v1, v0  }
0xf3: {  	v1 =	vld [tilespmem:s25+$0xE0]  }
0xf4: {  	v0 =	vadd.f32 v2, v0  }
0xf5: {  	v2 =	vld [tilespmem:s26+$0xB2A0]  }
0xf6: {  	v0 =	vadd.f32 v3, v0;
	_ =	sdelay $0x1  }
0xf7: {  	v0 =	vadd.f32 v1, v0;
	_ =	sdelay $0x1  }
0xf8: {  	v0 =	vadd.f32 v0, v2;
	_ =	sdelay $0x1  }
0xf9: {  	[tilespmem:s26+$0xB2A0] =	vst v0  }
0xfa: {  	v0 =	vld [tilespmem:s25+$0xFFFFFEF0]  }
0xfb: {  	v1 =	vld [tilespmem:s25+$0xFFFFFF70];
	_ =	sdelay $0x1  }
0xfc: {  	v2 =	vld [tilespmem:s25+$0xFFFFFFF0];
	_ =	sdelay $0x1  }
0xfd: {  	v3 =	vld [tilespmem:s25+$0x70]  }
0xfe: {  	v0 =	vadd.f32 v1, v0  }
0xff: {  	v1 =	vld [tilespmem:s25+$0xF0]  }
0x100: {  	v0 =	vadd.f32 v2, v0  }
0x101: {  	v2 =	vld [tilespmem:s26+$0xB2B0]  }
0x102: {  	v0 =	vadd.f32 v3, v0;
	_ =	sdelay $0x1  }
0x103: {  	v0 =	vadd.f32 v1, v0;
	_ =	sdelay $0x1  }
0x104: {  	v0 =	vadd.f32 v0, v2;
	_ =	sdelay $0x1  }
0x105: {  	[tilespmem:s26+$0xB2B0] =	vst v0  }
0x106: {  	v0 =	vld [tilespmem:s25+$0xFFFFFF00]  }
0x107: {  	v1 =	vld [tilespmem:s25+$0xFFFFFF80];
	_ =	sdelay $0x1  }
0x108: {  	v2 =	vld [tilespmem:s25+$0x0];
	_ =	sdelay $0x1  }
0x109: {  	v3 =	vld [tilespmem:s25+$0x80]  }
0x10a: {  	v0 =	vadd.f32 v1, v0  }
0x10b: {  	v1 =	vld [tilespmem:s25+$0x100]  }
0x10c: {  	v0 =	vadd.f32 v2, v0  }
0x10d: {  	v2 =	vld [tilespmem:s26+$0xB2C0]  }
0x10e: {  	v0 =	vadd.f32 v3, v0;
	_ =	sdelay $0x1  }
0x10f: {  	v0 =	vadd.f32 v1, v0;
	_ =	sdelay $0x1  }
0x110: {  	v0 =	vadd.f32 v0, v2;
	_ =	sdelay $0x1  }
0x111: {  	[tilespmem:s26+$0xB2C0] =	vst v0  }
0x112: {  	v0 =	vld [tilespmem:s25+$0xFFFFFF10]  }
0x113: {  	v1 =	vld [tilespmem:s25+$0xFFFFFF90];
	_ =	sdelay $0x1  }
0x114: {  	v2 =	vld [tilespmem:s25+$0x10];
	_ =	sdelay $0x1  }
0x115: {  	v3 =	vld [tilespmem:s25+$0x90]  }
0x116: {  	v0 =	vadd.f32 v1, v0  }
0x117: {  	v1 =	vld [tilespmem:s25+$0x110]  }
0x118: {  	v0 =	vadd.f32 v2, v0  }
0x119: {  	v2 =	vld [tilespmem:s26+$0xB2D0]  }
0x11a: {  	v0 =	vadd.f32 v3, v0;
	_ =	sdelay $0x1  }
0x11b: {  	v0 =	vadd.f32 v1, v0;
	_ =	sdelay $0x1  }
0x11c: {  	v0 =	vadd.f32 v0, v2;
	_ =	sdelay $0x1  }
0x11d: {  	[tilespmem:s26+$0xB2D0] =	vst v0  }
0x11e: {  	v0 =	vld [tilespmem:s25+$0xFFFFFF20]  }
0x11f: {  	v1 =	vld [tilespmem:s25+$0xFFFFFFA0];
	_ =	sdelay $0x1  }
0x120: {  	v2 =	vld [tilespmem:s25+$0x20];
	_ =	sdelay $0x1  }
0x121: {  	v3 =	vld [tilespmem:s25+$0xA0]  }
0x122: {  	v0 =	vadd.f32 v1, v0  }
0x123: {  	v1 =	vld [tilespmem:s25+$0x120]  }
0x124: {  	v0 =	vadd.f32 v2, v0  }
0x125: {  	v2 =	vld [tilespmem:s26+$0xB2E0]  }
0x126: {  	v0 =	vadd.f32 v3, v0;
	_ =	sdelay $0x1  }
0x127: {  	v0 =	vadd.f32 v1, v0;
	_ =	sdelay $0x1  }
0x128: {  	v0 =	vadd.f32 v0, v2;
	_ =	sdelay $0x1  }
0x129: {  	[tilespmem:s26+$0xB2E0] =	vst v0  }
0x12a: {  	v3 =	vld [tilespmem:s25+$0xFFFFFF30]  }
0x12b: {  	v4 =	vld [tilespmem:s25+$0xFFFFFFB0];
	_ =	sdelay $0x2  }
0x12c: {  	v2 =	vld [tilespmem:s25+$0x30]  }
0x12d: {  	v0 =	vld [tilespmem:s25+$0xB0]  }
0x12e: {  	s28 =	simm.s32 $0x200;
	v1 =	vld [tilespmem:s25+$0x130];
	v3 =	vadd.f32 v4, v3  }
.LBB2_5:
0x12f: {  	p0 =	sne.s32 s28, $0x3E00  }
0x130: {  	s25 =	sadd.s32 $0x280, s25;
	s29 =	smov.u32 s28;
	s28 =	sadd.s32 $0x200, s28  }
0x131: {  	v2 =	vadd.f32 v2, v3;
	v3 =	vld [tilespmem:s26+$0xB2F0];
	_ =	sdelay $0x1  }
0x132: {  	v0 =	vadd.f32 v0, v2;
	_ =	sdelay $0x1  }
0x133: {  	v0 =	vadd.f32 v1, v0;
	_ =	sdelay $0x1  }
0x134: {  	v0 =	vadd.f32 v0, v3;
	_ =	sdelay $0x1  }
0x135: {  	[tilespmem:s26+$0xB2F0] =	vst v0  }
0x136: {  	v0 =	vld [tilespmem:s25+$0xFFFFFF40]  }
0x137: {  	v1 =	vld [tilespmem:s25+$0xFFFFFEC0];
	_ =	sdelay $0x1  }
0x138: {  	v2 =	vld [tilespmem:s25+$0xFFFFFFC0]  }
0x139: {  	v3 =	vld [tilespmem:s25+$0x40];
	_ =	sdelay $0x1  }
0x13a: {  	v0 =	vadd.f32 v0, v1  }
0x13b: {  	v1 =	vld [tilespmem:s25+$0xC0]  }
0x13c: {  	s26 =	sshra.s32 s29, $0x2;
	v0 =	vadd.f32 v2, v0  }
0x13d: {  	v2 =	vld [tilespmem:s26+$0xB280]  }
0x13e: {  	v0 =	vadd.f32 v3, v0;
	_ =	sdelay $0x1  }
0x13f: {  	v0 =	vadd.f32 v1, v0;
	_ =	sdelay $0x1  }
0x140: {  	v0 =	vadd.f32 v0, v2;
	_ =	sdelay $0x1  }
0x141: {  	[tilespmem:s26+$0xB280] =	vst v0  }
0x142: {  	v0 =	vld [tilespmem:s25+$0xFFFFFED0]  }
0x143: {  	v1 =	vld [tilespmem:s25+$0xFFFFFF50];
	_ =	sdelay $0x1  }
0x144: {  	v2 =	vld [tilespmem:s25+$0xFFFFFFD0];
	_ =	sdelay $0x1  }
0x145: {  	v3 =	vld [tilespmem:s25+$0x50]  }
0x146: {  	v0 =	vadd.f32 v1, v0  }
0x147: {  	v1 =	vld [tilespmem:s25+$0xD0]  }
0x148: {  	v0 =	vadd.f32 v2, v0  }
0x149: {  	v2 =	vld [tilespmem:s26+$0xB290]  }
0x14a: {  	v0 =	vadd.f32 v3, v0;
	_ =	sdelay $0x1  }
0x14b: {  	v0 =	vadd.f32 v1, v0;
	_ =	sdelay $0x1  }
0x14c: {  	v0 =	vadd.f32 v0, v2;
	_ =	sdelay $0x1  }
0x14d: {  	[tilespmem:s26+$0xB290] =	vst v0  }
0x14e: {  	v0 =	vld [tilespmem:s25+$0xFFFFFEE0]  }
0x14f: {  	v1 =	vld [tilespmem:s25+$0xFFFFFF60];
	_ =	sdelay $0x1  }
0x150: {  	v2 =	vld [tilespmem:s25+$0xFFFFFFE0];
	_ =	sdelay $0x1  }
0x151: {  	v3 =	vld [tilespmem:s25+$0x60]  }
0x152: {  	v0 =	vadd.f32 v1, v0  }
0x153: {  	v1 =	vld [tilespmem:s25+$0xE0]  }
0x154: {  	v0 =	vadd.f32 v2, v0  }
0x155: {  	v2 =	vld [tilespmem:s26+$0xB2A0]  }
0x156: {  	v0 =	vadd.f32 v3, v0;
	_ =	sdelay $0x1  }
0x157: {  	v0 =	vadd.f32 v1, v0;
	_ =	sdelay $0x1  }
0x158: {  	v0 =	vadd.f32 v0, v2;
	_ =	sdelay $0x1  }
0x159: {  	[tilespmem:s26+$0xB2A0] =	vst v0  }
0x15a: {  	v0 =	vld [tilespmem:s25+$0xFFFFFEF0]  }
0x15b: {  	v1 =	vld [tilespmem:s25+$0xFFFFFF70];
	_ =	sdelay $0x1  }
0x15c: {  	v2 =	vld [tilespmem:s25+$0xFFFFFFF0];
	_ =	sdelay $0x1  }
0x15d: {  	v3 =	vld [tilespmem:s25+$0x70]  }
0x15e: {  	v0 =	vadd.f32 v1, v0  }
0x15f: {  	v1 =	vld [tilespmem:s25+$0xF0]  }
0x160: {  	v0 =	vadd.f32 v2, v0  }
0x161: {  	v2 =	vld [tilespmem:s26+$0xB2B0]  }
0x162: {  	v0 =	vadd.f32 v3, v0;
	_ =	sdelay $0x1  }
0x163: {  	v0 =	vadd.f32 v1, v0;
	_ =	sdelay $0x1  }
0x164: {  	v0 =	vadd.f32 v0, v2;
	_ =	sdelay $0x1  }
0x165: {  	[tilespmem:s26+$0xB2B0] =	vst v0  }
0x166: {  	v0 =	vld [tilespmem:s25+$0xFFFFFF00]  }
0x167: {  	v1 =	vld [tilespmem:s25+$0xFFFFFF80];
	_ =	sdelay $0x1  }
0x168: {  	v2 =	vld [tilespmem:s25+$0x0];
	_ =	sdelay $0x1  }
0x169: {  	v3 =	vld [tilespmem:s25+$0x80]  }
0x16a: {  	v0 =	vadd.f32 v1, v0  }
0x16b: {  	v1 =	vld [tilespmem:s25+$0x100]  }
0x16c: {  	v0 =	vadd.f32 v2, v0  }
0x16d: {  	v2 =	vld [tilespmem:s26+$0xB2C0]  }
0x16e: {  	v0 =	vadd.f32 v3, v0;
	_ =	sdelay $0x1  }
0x16f: {  	v0 =	vadd.f32 v1, v0;
	_ =	sdelay $0x1  }
0x170: {  	v0 =	vadd.f32 v0, v2;
	_ =	sdelay $0x1  }
0x171: {  	[tilespmem:s26+$0xB2C0] =	vst v0  }
0x172: {  	v0 =	vld [tilespmem:s25+$0xFFFFFF10]  }
0x173: {  	v1 =	vld [tilespmem:s25+$0xFFFFFF90]  }
0x174: {  	v2 =	vld [tilespmem:s25+$0x10]  }
0x175: {  	v3 =	vld [tilespmem:s25+$0x90]  }
0x176: {  	v4 =	vld [tilespmem:s25+$0x110];
	_ =	sdelay $0x1  }
0x177: {  	v0 =	vadd.f32 v1, v0;
	_ =	sdelay $0x1  }
0x178: {  	v0 =	vadd.f32 v2, v0  }
0x179: {  	v1 =	vld [tilespmem:s26+$0xB2D0]  }
0x17a: {  	v0 =	vadd.f32 v3, v0;
	_ =	sdelay $0x1  }
0x17b: {  	v0 =	vadd.f32 v4, v0;
	_ =	sdelay $0x1  }
0x17c: {  	v0 =	vadd.f32 v0, v1;
	_ =	sdelay $0x1  }
0x17d: {  	[tilespmem:s26+$0xB2D0] =	vst v0  }
0x17e: {  	v0 =	vld [tilespmem:s25+$0xFFFFFF20]  }
0x17f: {  	v1 =	vld [tilespmem:s25+$0xFFFFFFA0]  }
0x180: {  	v2 =	vld [tilespmem:s25+$0x20]  }
0x181: {  	v3 =	vld [tilespmem:s25+$0xA0]  }
0x182: {  	v4 =	vld [tilespmem:s25+$0x120];
	_ =	sdelay $0x1  }
0x183: {  	v0 =	vadd.f32 v1, v0;
	_ =	sdelay $0x1  }
0x184: {  	v0 =	vadd.f32 v2, v0  }
0x185: {  	v1 =	vld [tilespmem:s26+$0xB2E0]  }
0x186: {  	v0 =	vadd.f32 v3, v0;
	_ =	sdelay $0x1  }
0x187: {  	v0 =	vadd.f32 v4, v0;
	_ =	sdelay $0x1  }
0x188: {  	v0 =	vadd.f32 v0, v1;
	_ =	sdelay $0x1  }
0x189: {  	[tilespmem:s26+$0xB2E0] =	vst v0  }
0x18a: {  	v3 =	vld [tilespmem:s25+$0xFFFFFF30]  }
0x18b: {  	v4 =	vld [tilespmem:s25+$0xFFFFFFB0]  }
.Ltmp1:
0x18c: {  	v2 =	vld [tilespmem:s25+$0x30];
	(pc) =	sbr.rel @p0 .LBB2_5-.Ltmp1, $3  }
0x18d: {  	v0 =	vld [tilespmem:s25+$0xB0]  }
0x18e: {  	v1 =	vld [tilespmem:s25+$0x130];
	_ =	sdelay $0x1  }
0x18f: {  	v3 =	vadd.f32 v4, v3  }
0x190: {  	_ = 	snop  }
0x191: {  	v2 =	vadd.f32 v2, v3  }
0x192: {  	v63 =	vld [tilespmem:s26+$0xB2F0]  }
0x193: {  	v0 =	vadd.f32 v0, v2;
	_ =	sdelay $0x1  }
0x194: {  	v0 =	vadd.f32 v1, v0;
	_ =	sdelay $0x1  }
0x195: {  	s23 =	sadd.s32 $0x1, s23;
	v0 =	vadd.f32 v0, v63  }
0x196: {  	p0 =	sne.s32 s23, $0x31  }
.Ltmp2:
0x197: {  	s24 =	sadd.s32 s7, s24;
	[tilespmem:s26+$0xB2F0] =	vst v0;
	(pc) =	sbr.rel @p0 .LBB2_2-.Ltmp2, $4  }
0x198: {  	[hbm4b:s24+s3] =	stream.linear.scatter [tilespmem:s21], [sflag:$0x4], $0x1000, $0x38;
	[tilespmem:$0xC280] =	vst v63  }
0x199: {  	_ =	swait.ge [sflag:s10], $0x1000  }
0x19a: {  	[sflag:s10] =	ssyncset.done $0x0  }
0x19b: {  	[sflag:s10] =	ssyncadd.s32 $0xFFFFF000  }
0x19c: {  	s22 =	sadd.s32 $0x1, s22  }
0x19d: {  	p0 =	sne.s32 s22, s9  }
.Ltmp3:
0x19e: {  	_ = 	snop;
	(pc) =	sbr.rel @p0 .LBB2_1-.Ltmp3, $1  }
0x19f: {  	_ =	sdelay $0x3  }
0x1a0: {  	_ =	sfence.sel $0x180000  }
0x1a1: {  	[bflag:$0x0] =	sbarrier.arrive $0xFFFF  }
0x1a2: {  	p0 =	sne.s32 s4, $0x0;
	_ =	strace $0x90000047  }
0x1a3: {  	s0 =	sadd.s32 @!p0 $0x100000, s0;
	[bflag:$0x2] =	sbarrier.arrive $0xFFFF  }
0x1a4: {  	[sflag:s0] =	ssyncadd.tile.s32 @!p0 $0x1;
	_ =	shalt  }
.Lfunc_end2:
_tile_overlayer_lowered:
.L_overlay_start_2:
0x1a5: {  	(tag) =	ssettag $0x2  }
0x1a6: {  	s0 =	rddreg [dreg:$0x0];
	s2 =	stileid.u32  }
0x1a7: {  	s1 =	rddreg [dreg:$0x1];
	p0 =	sne.s32 s2, $0x0  }
0x1a8: {  	s3 =	rddreg [dreg:$0x2];
	[bflag:$0x3] =	sbarrier.arrive $0xFFFF;
	s2 =	simm.s32 @!p0 $0x1C04  }
0x1a9: {  	[timem:s3], [sflag:s2] =	dma.local @!p0 [hbm:s0], s1  }
0x1aa: {  	s0 =	simm.s32 @!p0 $0x4  }
0x1ab: {  	_ =	swait.ge @!p0 [sflag:s0], s1  }
0x1ac: {  	s1 =	ssub.s32 @!p0 $0x0, s1;
	[sflag:s0] =	ssyncset.done @!p0 $0x0  }
0x1ad: {  	[sflag:s0] =	ssyncadd.s32 @!p0 s1  }
0x1ae: {  	[bflag:$0x3] =	sbarrier.arrive $0xFFFF  }
0x1af: {  	_ =	shalt  }

</sc_bundles>
